<compile_context>
chip_gen: v7x
topology: tpu7x:2x2x1
jax: 0.10.2.dev20260603
libtpu: 0.0.44.dev20260713+nightly
codegen_flags: <defaults>
</compile_context>

<pallas_src>
import functools

import jax
import jax.numpy as jnp
from jax import lax
from jax.experimental import pallas as pl
from jax.experimental.pallas import tpu as pltpu
from jax.experimental.pallas import tpu_sc as plsc

_NC = 2
_NS = 16
_NW = _NC * _NS

_CH = 128


def _cdiv(a, b):
    return (a + b - 1) // b


def _make_src(central_species, n_pad_rows, cols, b1, safe):
    n = central_species.shape[0]
    pad = n_pad_rows * cols - n
    sp = jnp.concatenate(
        [central_species, jnp.ones((pad,), dtype=central_species.dtype)]
    ).reshape(n_pad_rows, cols)

    def body(sp_ref, src_ref):
        z = (sp_ref[...] == 0).astype(jnp.float32)
        r, c = z.shape
        tri = (
            lax.broadcasted_iota(jnp.int32, (c, c), 0)
            <= lax.broadcasted_iota(jnp.int32, (c, c), 1)
        ).astype(jnp.float32)
        y = jnp.dot(z, tri, preferred_element_type=jnp.float32)
        s = jnp.sum(z, axis=1, keepdims=True)
        low = (
            lax.broadcasted_iota(jnp.int32, (r, r), 1)
            < lax.broadcasted_iota(jnp.int32, (r, r), 0)
        ).astype(jnp.float32)
        off = jnp.dot(low, s, preferred_element_type=jnp.float32)
        cz = y + off - z
        gi = (
            lax.broadcasted_iota(jnp.int32, (r, c), 0) * c
            + lax.broadcasted_iota(jnp.int32, (r, c), 1)
        ).astype(jnp.float32)
        srcf = jnp.where(z > 0.5, cz, b1 + gi - cz)
        srcf = jnp.where(gi < n, srcf, safe + gi - n)
        src_ref[...] = srcf.astype(jnp.int32)

    return pl.pallas_call(
        body,
        out_shape=jax.ShapeDtypeStruct((n_pad_rows, cols), jnp.int32),
    )(sp)


def _make_inv(src2d, ni):
    n_rows = src2d.shape[0]
    assert n_rows % _NS == 0
    rps = n_rows // _NS
    assert ni % (2 * _NS * 8) == 0
    half = ni // 2
    opc = half // _NS
    mesh = plsc.VectorSubcoreMesh(core_axis_name="c", subcore_axis_name="s")

    @functools.partial(
        pl.kernel,
        mesh=mesh,
        out_type=jax.ShapeDtypeStruct((ni,), jnp.int32),
        scratch_types=[
            pltpu.VMEM((rps, _CH), jnp.int32),
            pltpu.VMEM((rps, _CH), jnp.int32),
            pltpu.VMEM((opc,), jnp.int32),
            pltpu.VMEM_SHARED((ni,), jnp.int32),
            pltpu.SemaphoreType.DMA,
        ],
    )
    def invert(src_hbm, inv_hbm, srcv, posv, stage, shared, sem):
        cid = lax.axis_index("c")
        sid = lax.axis_index("s")
        r0 = sid * rps
        pltpu.sync_copy(src_hbm.at[pl.ds(r0, rps)], srcv)
        lane = lax.iota(jnp.int32, 16)
        a0 = r0 * _CH

        def build(j, carry):
            for m in range(_CH // 16):
                posv[j, pl.ds(16 * m, 16)] = a0 + j * _CH + 16 * m + lane
            return carry

        lax.fori_loop(0, rps, build, 0)

        def fire(j, carry):
            pltpu.async_copy(posv.at[j], shared.at[srcv.at[j]], sem)
            return carry

        lax.fori_loop(0, rps, fire, 0)

        def drain(j, carry):
            pltpu.make_async_copy(
                posv.at[0], shared.at[srcv.at[0]], sem
            ).wait()
            return carry

        lax.fori_loop(0, rps, drain, 0)
        plsc.subcore_barrier()

        g = cid * half + sid * opc
        pltpu.sync_copy(shared.at[pl.ds(g, opc)], stage)
        pltpu.sync_copy(stage, inv_hbm.at[pl.ds(g, opc)])

    return invert(src2d)


def _scatter_rows(features_0, features_1, inv_flat, b1):
    n0, d = features_0.shape
    n1 = features_1.shape[0]
    n = n0 + n1
    nf0 = n0 // _CH
    t0 = n0 - nf0 * _CH
    nf1 = n1 // _CH
    t1 = n1 - nf1 * _CH
    trips0 = _cdiv(nf0, _NW)
    trips1 = _cdiv(nf1, _NW)
    st0 = max(t0, 16)
    st1 = max(t1, 16)
    mesh = plsc.VectorSubcoreMesh(core_axis_name="c", subcore_axis_name="s")

    @functools.partial(
        pl.kernel,
        mesh=mesh,
        out_type=jax.ShapeDtypeStruct((n, d), jnp.float32),
        scratch_types=[
            pltpu.VMEM((_CH,), jnp.int32),
            pltpu.VMEM((_CH,), jnp.int32),
            pltpu.VMEM((_CH,), jnp.int32),
            pltpu.VMEM((_CH, d), jnp.float32),
            pltpu.VMEM((_CH, d), jnp.float32),
            pltpu.VMEM((_CH, d), jnp.float32),
            pltpu.VMEM((st0,), jnp.int32),
            pltpu.VMEM((st0, d), jnp.float32),
            pltpu.VMEM((st1,), jnp.int32),
            pltpu.VMEM((st1, d), jnp.float32),
            pltpu.SemaphoreType.DMA,
            pltpu.SemaphoreType.DMA,
            pltpu.SemaphoreType.DMA,
            pltpu.SemaphoreType.DMA,
            pltpu.SemaphoreType.DMA,
            pltpu.SemaphoreType.DMA,
            pltpu.SemaphoreType.DMA,
        ],
    )
    def scatter(
        f0_hbm, f1_hbm, invf_hbm, out_hbm,
        invv0, invv1, invv2, rows0, rows1, rows2,
        invv_t0, rows_t0, invv_t1, rows_t1,
        rsem0, rsem1, rsem2, ssem0, ssem1, ssem2, sem_t,
    ):
        wid = lax.axis_index("s") * _NC + lax.axis_index("c")
        bufs = (
            (invv0, rows0, rsem0, ssem0),
            (invv1, rows1, rsem1, ssem1),
            (invv2, rows2, rsem2, ssem2),
        )

        def table_loop(feat_hbm, rb, nf, trips):
            base_t = nf // _NW
            rem_t = nf - base_t * _NW
            del trips
            def step(i, b):
                invv, rows, rsem, ssem = bufs[b]
                k = wid + _NW * i
                k = jnp.where(k >= nf, k - nf, k)

                @pl.when(i >= 3)
                def _():
                    pltpu.make_async_copy(
                        rows, out_hbm.at[invv], ssem
                    ).wait()

                cpi = pltpu.async_copy(
                    invf_hbm.at[pl.ds(rb + k * _CH, _CH)], invv, rsem
                )
                cpr = pltpu.async_copy(
                    feat_hbm.at[pl.ds(k * _CH, _CH)], rows, rsem
                )
                cpi.wait()
                cpr.wait()
                pltpu.async_copy(rows, out_hbm.at[invv], ssem)

            def body(i, carry):
                for b in range(3):
                    @pl.when(i % 3 == b)
                    def _(b=b):
                        step(i, b)

                return carry

            my_trips = base_t + jnp.where(wid < rem_t, 1, 0)
            lax.fori_loop(0, my_trips, body, 0)
            for b in range(3):
                invv, rows, rsem, ssem = bufs[b]
                pltpu.make_async_copy(rows, out_hbm.at[invv], ssem).wait()

        table_loop(f0_hbm, 0, nf0, trips0)
        table_loop(f1_hbm, b1, nf1, trips1)

        if t0:
            @pl.when(wid == 0)
            def _():
                r0 = nf0 * _CH
                pltpu.sync_copy(invf_hbm.at[pl.ds(r0, t0)], invv_t0)
                pltpu.sync_copy(f0_hbm.at[pl.ds(r0, t0)], rows_t0)
                pltpu.async_copy(rows_t0, out_hbm.at[invv_t0], sem_t).wait()

        if t1:
            @pl.when(wid == 1)
            def _():
                r1 = nf1 * _CH
                pltpu.sync_copy(
                    invf_hbm.at[pl.ds(b1 + r1, t1)], invv_t1
                )
                pltpu.sync_copy(f1_hbm.at[pl.ds(r1, t1)], rows_t1)
                pltpu.async_copy(rows_t1, out_hbm.at[invv_t1], sem_t).wait()

    return scatter(features_0, features_1, inv_flat)


def kernel(features_0, features_1, central_species):
    n0, d = features_0.shape
    n1 = features_1.shape[0]
    n = central_species.shape[0]
    cols = 256
    chunk_rows = _cdiv(_cdiv(n, _CH), _NW * 8) * _NW * 8
    np_total = chunk_rows * _CH
    rows = np_total // cols
    b1 = _cdiv(n0, _CH) * _CH
    safe = b1 + _cdiv(n1, _CH) * _CH
    ni = _cdiv(safe + (np_total - n), _CH) * _CH

    src = _make_src(central_species, rows, cols, b1, safe)
    src2d = src.reshape(chunk_rows, _CH)
    inv = _make_inv(src2d, ni)
    return _scatter_rows(features_0, features_1, inv, b1)

# --- scband reference (transcript-rebuilt; emitter-appended) ---
"""Pipeline reference for scband-central-uniter-60816736911414 (READ-ONLY COPY).

The authoritative reference and input builder live on the scoring server;
editing this copy changes nothing except your own understanding.
"""

import jax, jax.numpy as jnp
import numpy as np

N0 = 100000
N1 = 100000
D = 256


def setup_inputs(seed: int = 0) -> dict:
    key = jax.random.key(seed)
    k0, k1, k2 = jax.random.split(key, 3)
    features_0 = jax.random.normal(k0, (N0, D), dtype=jnp.float32)
    features_1 = jax.random.normal(k1, (N1, D), dtype=jnp.float32)
    # exactly N0 atoms of species 0 and N1 atoms of species 1, randomly interleaved
    species = jnp.concatenate([jnp.zeros(N0, dtype=jnp.int32), jnp.ones(N1, dtype=jnp.int32)])
    central_species = jax.random.permutation(k2, species)
    return {"features_0": features_0, "features_1": features_1, "central_species": central_species}


def reference(features_0, features_1, central_species):
    # Faithful translation of CentralUniter.forward for features = {'0': {'f': features_0}, '1': {'f': features_1}}
    # Original: result[key][mask] = features[specie][key]  (boolean-mask scatter-overwrite)
    N = central_species.shape[0]
    d = features_0.shape[1]
    # torch.empty init; every row is written exactly once (species partition the atoms), so zeros init is equivalent
    result = jnp.zeros((N, d), dtype=features_0.dtype)
    idx0 = jnp.nonzero(central_species == 0, size=features_0.shape[0])[0]
    idx1 = jnp.nonzero(central_species == 1, size=features_1.shape[0])[0]
    result = result.at[idx0].set(features_0)
    result = result.at[idx1].set(features_1)
    return result

if __name__ == "__main__":
    import jax
    _d = setup_inputs()
    print(jax.jit(kernel)(*tuple(_d.values())))

</pallas_src>

<mosaic_0001>
#map = affine_map<(d0, d1) -> (0, 0)>
#map1 = affine_map<(d0, d1) -> (0)>
module attributes {stable_mosaic.version = 14 : i64} {
  func.func @invert(%arg0: i32, %arg1: i32, %arg2: memref<1792x128xi32, #tpu.memory_space<hbm>>, %arg3: memref<229632xi32, #tpu.memory_space<hbm>>, %arg4: memref<112x128xi32, #tpu.memory_space<vmem>>, %arg5: memref<112x128xi32, #tpu.memory_space<vmem>>, %arg6: memref<7176xi32, #tpu.memory_space<vmem>>, %arg7: memref<229632xi32, #tpu.memory_space<vmem_shared>>, %arg8: memref<!tpu.dma_semaphore, #tpu.memory_space<semaphore_mem>>) attributes {dimension_semantics = [#tpu.dimension_semantics<core_parallel>, #tpu.dimension_semantics<subcore_parallel>], iteration_bounds = array<i64: 2, 16>, scalar_prefetch = 0 : i64, scratch_operands = 5 : i64, tpu.core_type = #tpu.core_type<sc_vector_subcore>, window_params = [{transform_indices = #map}, {transform_indices = #map1}]} {
    %mul3A = arith.constant 112 : i32
    %mul3A_0 = arith.muli %arg1, %mul3A : i32
    "tpu.region"() ({
      %run_scoped3A = tpu.sem_alloc : memref<!tpu.dma_semaphore, #tpu.memory_space<semaphore_mem>>
      %dma_start3A = arith.constant 0 : i32
      %dma_start3A_24 = tpu.memref_slice %arg2[%mul3A_0, %dma_start3A] : memref<1792x128xi32, #tpu.memory_space<hbm>> -> memref<112x128xi32, #tpu.memory_space<hbm>>
      %dma_start3A_25 = arith.constant 0 : i32
      %dma_start3A_26 = tpu.memref_slice %arg2[%mul3A_0, %dma_start3A_25] : memref<1792x128xi32, #tpu.memory_space<hbm>> -> memref<112x128xi32, #tpu.memory_space<hbm>>
      tpu.enqueue_dma source(%dma_start3A_26 : memref<112x128xi32, #tpu.memory_space<hbm>>) target(%arg4 : memref<112x128xi32, #tpu.memory_space<vmem>>) target_semaphore(%run_scoped3A : memref<!tpu.dma_semaphore, #tpu.memory_space<semaphore_mem>>)
      %dma_wait3A = arith.constant 0 : i32
      %dma_wait3A_27 = tpu.memref_slice %arg2[%mul3A_0, %dma_wait3A] : memref<1792x128xi32, #tpu.memory_space<hbm>> -> memref<112x128xi32, #tpu.memory_space<hbm>>
      %dma_wait3A_28 = arith.constant 0 : i32
      %dma_wait3A_29 = tpu.memref_slice %arg2[%mul3A_0, %dma_wait3A_28] : memref<1792x128xi32, #tpu.memory_space<hbm>> -> memref<112x128xi32, #tpu.memory_space<hbm>>
      tpu.wait_dma2 semaphore(%run_scoped3A : memref<!tpu.dma_semaphore, #tpu.memory_space<semaphore_mem>>) src(%dma_wait3A_29 : memref<112x128xi32, #tpu.memory_space<hbm>>) dst(%arg4 : memref<112x128xi32, #tpu.memory_space<vmem>>)
      tpu.yield
    }) : () -> ()
    %iota3A = tpu.iota {dimensions = array<i32: 0>} : vector<16xi32>
    %mul3A_1 = arith.constant 128 : i32
    %mul3A_2 = arith.muli %mul3A_0, %mul3A_1 : i32
    %scan3A = arith.constant 0 : i32
    %scan3A_3 = arith.constant 0 : i32
    %scan3A_4 = arith.constant 112 : i32
    %scan3A_5 = arith.addi %scan3A_3, %scan3A_4 : i32
    %scan3A_6 = arith.constant 1 : i32
    scf.for %scan3A_24 = %scan3A_3 to %scan3A_5 step %scan3A_6  : i32 {
      %mul3A_25 = arith.constant 128 : i32
      %mul3A_26 = arith.muli %scan3A_24, %mul3A_25 : i32
      %add3A_27 = arith.addi %mul3A_2, %mul3A_26 : i32
      %add3A_28 = arith.constant 0 : i32
      %add3A_29 = arith.addi %add3A_27, %add3A_28 : i32
      %add3A_30 = vector.broadcast %add3A_29 : i32 to vector<16xi32>
      %add3A_31 = arith.addi %add3A_30, %iota3A : vector<16xi32>
      %swap3A = arith.index_cast %scan3A_24 : i32 to index
      %swap3A_32 = arith.constant 0 : index
      %swap3A_33 = tpu.vector_load %arg5[%swap3A, %swap3A_32] {strides = array<i32>} : memref<112x128xi32, #tpu.memory_space<vmem>>, vector<1x16xi32>,
      %swap3A_34 = vector.shape_cast %swap3A_33 : vector<1x16xi32> to vector<16xi32>
      %swap3A_35 = vector.shape_cast %add3A_31 : vector<16xi32> to vector<1x16xi32>
      tpu.vector_store %arg5[%swap3A, %swap3A_32], %swap3A_35 {strides = array<i32>} : memref<112x128xi32, #tpu.memory_space<vmem>>, vector<1x16xi32>,
      %mul3A_36 = arith.constant 128 : i32
      %mul3A_37 = arith.muli %scan3A_24, %mul3A_36 : i32
      %add3A_38 = arith.addi %mul3A_2, %mul3A_37 : i32
      %add3A_39 = arith.constant 16 : i32
      %add3A_40 = arith.addi %add3A_38, %add3A_39 : i32
      %add3A_41 = vector.broadcast %add3A_40 : i32 to vector<16xi32>
      %add3A_42 = arith.addi %add3A_41, %iota3A : vector<16xi32>
      %swap3A_43 = arith.index_cast %scan3A_24 : i32 to index
      %swap3A_44 = arith.constant 16 : index
      %swap3A_45 = tpu.vector_load %arg5[%swap3A_43, %swap3A_44] {strides = array<i32>} : memref<112x128xi32, #tpu.memory_space<vmem>>, vector<1x16xi32>,
      %swap3A_46 = vector.shape_cast %swap3A_45 : vector<1x16xi32> to vector<16xi32>
      %swap3A_47 = vector.shape_cast %add3A_42 : vector<16xi32> to vector<1x16xi32>
      tpu.vector_store %arg5[%swap3A_43, %swap3A_44], %swap3A_47 {strides = array<i32>} : memref<112x128xi32, #tpu.memory_space<vmem>>, vector<1x16xi32>,
      %mul3A_48 = arith.constant 128 : i32
      %mul3A_49 = arith.muli %scan3A_24, %mul3A_48 : i32
      %add3A_50 = arith.addi %mul3A_2, %mul3A_49 : i32
      %add3A_51 = arith.constant 32 : i32
      %add3A_52 = arith.addi %add3A_50, %add3A_51 : i32
      %add3A_53 = vector.broadcast %add3A_52 : i32 to vector<16xi32>
      %add3A_54 = arith.addi %add3A_53, %iota3A : vector<16xi32>
      %swap3A_55 = arith.index_cast %scan3A_24 : i32 to index
      %swap3A_56 = arith.constant 32 : index
      %swap3A_57 = tpu.vector_load %arg5[%swap3A_55, %swap3A_56] {strides = array<i32>} : memref<112x128xi32, #tpu.memory_space<vmem>>, vector<1x16xi32>,
      %swap3A_58 = vector.shape_cast %swap3A_57 : vector<1x16xi32> to vector<16xi32>
      %swap3A_59 = vector.shape_cast %add3A_54 : vector<16xi32> to vector<1x16xi32>
      tpu.vector_store %arg5[%swap3A_55, %swap3A_56], %swap3A_59 {strides = array<i32>} : memref<112x128xi32, #tpu.memory_space<vmem>>, vector<1x16xi32>,
      %mul3A_60 = arith.constant 128 : i32
      %mul3A_61 = arith.muli %scan3A_24, %mul3A_60 : i32
      %add3A_62 = arith.addi %mul3A_2, %mul3A_61 : i32
      %add3A_63 = arith.constant 48 : i32
      %add3A_64 = arith.addi %add3A_62, %add3A_63 : i32
      %add3A_65 = vector.broadcast %add3A_64 : i32 to vector<16xi32>
      %add3A_66 = arith.addi %add3A_65, %iota3A : vector<16xi32>
      %swap3A_67 = arith.index_cast %scan3A_24 : i32 to index
      %swap3A_68 = arith.constant 48 : index
      %swap3A_69 = tpu.vector_load %arg5[%swap3A_67, %swap3A_68] {strides = array<i32>} : memref<112x128xi32, #tpu.memory_space<vmem>>, vector<1x16xi32>,
      %swap3A_70 = vector.shape_cast %swap3A_69 : vector<1x16xi32> to vector<16xi32>
      %swap3A_71 = vector.shape_cast %add3A_66 : vector<16xi32> to vector<1x16xi32>
      tpu.vector_store %arg5[%swap3A_67, %swap3A_68], %swap3A_71 {strides = array<i32>} : memref<112x128xi32, #tpu.memory_space<vmem>>, vector<1x16xi32>,
      %mul3A_72 = arith.constant 128 : i32
      %mul3A_73 = arith.muli %scan3A_24, %mul3A_72 : i32
      %add3A_74 = arith.addi %mul3A_2, %mul3A_73 : i32
      %add3A_75 = arith.constant 64 : i32
      %add3A_76 = arith.addi %add3A_74, %add3A_75 : i32
      %add3A_77 = vector.broadcast %add3A_76 : i32 to vector<16xi32>
      %add3A_78 = arith.addi %add3A_77, %iota3A : vector<16xi32>
      %swap3A_79 = arith.index_cast %scan3A_24 : i32 to index
      %swap3A_80 = arith.constant 64 : index
      %swap3A_81 = tpu.vector_load %arg5[%swap3A_79, %swap3A_80] {strides = array<i32>} : memref<112x128xi32, #tpu.memory_space<vmem>>, vector<1x16xi32>,
      %swap3A_82 = vector.shape_cast %swap3A_81 : vector<1x16xi32> to vector<16xi32>
      %swap3A_83 = vector.shape_cast %add3A_78 : vector<16xi32> to vector<1x16xi32>
      tpu.vector_store %arg5[%swap3A_79, %swap3A_80], %swap3A_83 {strides = array<i32>} : memref<112x128xi32, #tpu.memory_space<vmem>>, vector<1x16xi32>,
      %mul3A_84 = arith.constant 128 : i32
      %mul3A_85 = arith.muli %scan3A_24, %mul3A_84 : i32
      %add3A_86 = arith.addi %mul3A_2, %mul3A_85 : i32
      %add3A_87 = arith.constant 80 : i32
      %add3A_88 = arith.addi %add3A_86, %add3A_87 : i32
      %add3A_89 = vector.broadcast %add3A_88 : i32 to vector<16xi32>
      %add3A_90 = arith.addi %add3A_89, %iota3A : vector<16xi32>
      %swap3A_91 = arith.index_cast %scan3A_24 : i32 to index
      %swap3A_92 = arith.constant 80 : index
      %swap3A_93 = tpu.vector_load %arg5[%swap3A_91, %swap3A_92] {strides = array<i32>} : memref<112x128xi32, #tpu.memory_space<vmem>>, vector<1x16xi32>,
      %swap3A_94 = vector.shape_cast %swap3A_93 : vector<1x16xi32> to vector<16xi32>
      %swap3A_95 = vector.shape_cast %add3A_90 : vector<16xi32> to vector<1x16xi32>
      tpu.vector_store %arg5[%swap3A_91, %swap3A_92], %swap3A_95 {strides = array<i32>} : memref<112x128xi32, #tpu.memory_space<vmem>>, vector<1x16xi32>,
      %mul3A_96 = arith.constant 128 : i32
      %mul3A_97 = arith.muli %scan3A_24, %mul3A_96 : i32
      %add3A_98 = arith.addi %mul3A_2, %mul3A_97 : i32
      %add3A_99 = arith.constant 96 : i32
      %add3A_100 = arith.addi %add3A_98, %add3A_99 : i32
      %add3A_101 = vector.broadcast %add3A_100 : i32 to vector<16xi32>
      %add3A_102 = arith.addi %add3A_101, %iota3A : vector<16xi32>
      %swap3A_103 = arith.index_cast %scan3A_24 : i32 to index
      %swap3A_104 = arith.constant 96 : index
      %swap3A_105 = tpu.vector_load %arg5[%swap3A_103, %swap3A_104] {strides = array<i32>} : memref<112x128xi32, #tpu.memory_space<vmem>>, vector<1x16xi32>,
      %swap3A_106 = vector.shape_cast %swap3A_105 : vector<1x16xi32> to vector<16xi32>
      %swap3A_107 = vector.shape_cast %add3A_102 : vector<16xi32> to vector<1x16xi32>
      tpu.vector_store %arg5[%swap3A_103, %swap3A_104], %swap3A_107 {strides = array<i32>} : memref<112x128xi32, #tpu.memory_space<vmem>>, vector<1x16xi32>,
      %mul3A_108 = arith.constant 128 : i32
      %mul3A_109 = arith.muli %scan3A_24, %mul3A_108 : i32
      %add3A_110 = arith.addi %mul3A_2, %mul3A_109 : i32
      %add3A_111 = arith.constant 112 : i32
      %add3A_112 = arith.addi %add3A_110, %add3A_111 : i32
      %add3A_113 = vector.broadcast %add3A_112 : i32 to vector<16xi32>
      %add3A_114 = arith.addi %add3A_113, %iota3A : vector<16xi32>
      %swap3A_115 = arith.index_cast %scan3A_24 : i32 to index
      %swap3A_116 = arith.constant 112 : index
      %swap3A_117 = tpu.vector_load %arg5[%swap3A_115, %swap3A_116] {strides = array<i32>} : memref<112x128xi32, #tpu.memory_space<vmem>>, vector<1x16xi32>,
      %swap3A_118 = vector.shape_cast %swap3A_117 : vector<1x16xi32> to vector<16xi32>
      %swap3A_119 = vector.shape_cast %add3A_114 : vector<16xi32> to vector<1x16xi32>
      tpu.vector_store %arg5[%swap3A_115, %swap3A_116], %swap3A_119 {strides = array<i32>} : memref<112x128xi32, #tpu.memory_space<vmem>>, vector<1x16xi32>,
    }
    %scan3A_7 = arith.constant 112 : i32
    %scan3A_8 = arith.constant 0 : i32
    %scan3A_9 = arith.constant 0 : i32
    %scan3A_10 = arith.constant 112 : i32
    %scan3A_11 = arith.addi %scan3A_9, %scan3A_10 : i32
    %scan3A_12 = arith.constant 1 : i32
    scf.for %scan3A_24 = %scan3A_9 to %scan3A_11 step %scan3A_12  : i32 {
      %dma_start3A = arith.constant 0 : i32
      %dma_start3A_25 = tpu.memref_slice %arg5[%scan3A_24, %dma_start3A] : memref<112x128xi32, #tpu.memory_space<vmem>> -> memref<1x128xi32, #tpu.memory_space<vmem>>
      %dma_start3A_26 = tpu.memref_squeeze %dma_start3A_25 : memref<1x128xi32, #tpu.memory_space<vmem>> -> memref<128xi32, #tpu.memory_space<vmem>>
      %dma_start3A_27 = arith.constant 0 : i32
      %dma_start3A_28 = tpu.memref_slice %arg4[%scan3A_24, %dma_start3A_27] : memref<112x128xi32, #tpu.memory_space<vmem>> -> memref<1x128xi32, #tpu.memory_space<vmem>>
      %dma_start3A_29 = tpu.memref_squeeze %dma_start3A_28 : memref<1x128xi32, #tpu.memory_space<vmem>> -> memref<128xi32, #tpu.memory_space<vmem>>
      %dma_start3A_30 = arith.constant 0 : i32
      %dma_start3A_31 = tpu.memref_slice %arg7[%dma_start3A_30] : memref<229632xi32, #tpu.memory_space<vmem_shared>> -> memref<229632xi32, #tpu.memory_space<vmem_shared>>
      tpu.enqueue_indirect_dma source(%dma_start3A_26 : memref<128xi32, #tpu.memory_space<vmem>>) target(%dma_start3A_31 : memref<229632xi32, #tpu.memory_space<vmem_shared>>) offsets(%dma_start3A_29 : memref<128xi32, #tpu.memory_space<vmem>>) semaphore(%arg8 : memref<!tpu.dma_semaphore, #tpu.memory_space<semaphore_mem>>)
    }
    %scan3A_13 = arith.constant 112 : i32
    %scan3A_14 = arith.constant 0 : i32
    %scan3A_15 = arith.constant 0 : i32
    %scan3A_16 = arith.constant 112 : i32
    %scan3A_17 = arith.addi %scan3A_15, %scan3A_16 : i32
    %scan3A_18 = arith.constant 1 : i32
    scf.for %scan3A_24 = %scan3A_15 to %scan3A_17 step %scan3A_18  : i32 {
      %dma_wait3A = arith.constant 0 : i32
      %dma_wait3A_25 = arith.constant 0 : i32
      %dma_wait3A_26 = arith.constant 0 : i32
      %dma_wait3A_27 = tpu.memref_slice %arg5[%dma_wait3A, %dma_wait3A_26] : memref<112x128xi32, #tpu.memory_space<vmem>> -> memref<1x128xi32, #tpu.memory_space<vmem>>
      %dma_wait3A_28 = tpu.memref_squeeze %dma_wait3A_27 : memref<1x128xi32, #tpu.memory_space<vmem>> -> memref<128xi32, #tpu.memory_space<vmem>>
      %dma_wait3A_29 = arith.constant 0 : i32
      %dma_wait3A_30 = tpu.memref_slice %arg4[%dma_wait3A_25, %dma_wait3A_29] : memref<112x128xi32, #tpu.memory_space<vmem>> -> memref<1x128xi32, #tpu.memory_space<vmem>>
      %dma_wait3A_31 = tpu.memref_squeeze %dma_wait3A_30 : memref<1x128xi32, #tpu.memory_space<vmem>> -> memref<128xi32, #tpu.memory_space<vmem>>
      %dma_wait3A_32 = arith.constant 0 : i32
      %dma_wait3A_33 = tpu.memref_slice %arg7[%dma_wait3A_32] : memref<229632xi32, #tpu.memory_space<vmem_shared>> -> memref<229632xi32, #tpu.memory_space<vmem_shared>>
      tpu.wait_indirect_dma semaphore(%arg8 : memref<!tpu.dma_semaphore, #tpu.memory_space<semaphore_mem>>) src(%dma_wait3A_28 : memref<128xi32, #tpu.memory_space<vmem>>) dst(%dma_wait3A_33 : memref<229632xi32, #tpu.memory_space<vmem_shared>>)
    }
    %scan3A_19 = arith.constant 112 : i32
    %barrier3A = arith.constant 0 : index
    tpu.barrier barrier_id(%barrier3A)
    %mul3A_20 = arith.constant 114816 : i32
    %mul3A_21 = arith.muli %arg0, %mul3A_20 : i32
    %mul3A_22 = arith.constant 7176 : i32
    %mul3A_23 = arith.muli %arg1, %mul3A_22 : i32
    %add3A = arith.addi %mul3A_21, %mul3A_23 : i32
    "tpu.region"() ({
      %run_scoped3A = tpu.sem_alloc : memref<!tpu.dma_semaphore, #tpu.memory_space<semaphore_mem>>
      %dma_start3A = tpu.memref_slice %arg7[%add3A] : memref<229632xi32, #tpu.memory_space<vmem_shared>> -> memref<7176xi32, #tpu.memory_space<vmem_shared>>
      %dma_start3A_24 = tpu.memref_slice %arg7[%add3A] : memref<229632xi32, #tpu.memory_space<vmem_shared>> -> memref<7176xi32, #tpu.memory_space<vmem_shared>>
      tpu.enqueue_dma source(%dma_start3A_24 : memref<7176xi32, #tpu.memory_space<vmem_shared>>) target(%arg6 : memref<7176xi32, #tpu.memory_space<vmem>>) target_semaphore(%run_scoped3A : memref<!tpu.dma_semaphore, #tpu.memory_space<semaphore_mem>>)
      %dma_wait3A = tpu.memref_slice %arg7[%add3A] : memref<229632xi32, #tpu.memory_space<vmem_shared>> -> memref<7176xi32, #tpu.memory_space<vmem_shared>>
      %dma_wait3A_25 = tpu.memref_slice %arg7[%add3A] : memref<229632xi32, #tpu.memory_space<vmem_shared>> -> memref<7176xi32, #tpu.memory_space<vmem_shared>>
      tpu.wait_dma2 semaphore(%run_scoped3A : memref<!tpu.dma_semaphore, #tpu.memory_space<semaphore_mem>>) src(%dma_wait3A_25 : memref<7176xi32, #tpu.memory_space<vmem_shared>>) dst(%arg6 : memref<7176xi32, #tpu.memory_space<vmem>>)
      tpu.yield
    }) : () -> ()
    "tpu.region"() ({
      %run_scoped3A = tpu.sem_alloc : memref<!tpu.dma_semaphore, #tpu.memory_space<semaphore_mem>>
      %dma_start3A = tpu.memref_slice %arg3[%add3A] : memref<229632xi32, #tpu.memory_space<hbm>> -> memref<7176xi32, #tpu.memory_space<hbm>>
      %dma_start3A_24 = tpu.memref_slice %arg3[%add3A] : memref<229632xi32, #tpu.memory_space<hbm>> -> memref<7176xi32, #tpu.memory_space<hbm>>
      tpu.enqueue_dma source(%arg6 : memref<7176xi32, #tpu.memory_space<vmem>>) target(%dma_start3A_24 : memref<7176xi32, #tpu.memory_space<hbm>>) target_semaphore(%run_scoped3A : memref<!tpu.dma_semaphore, #tpu.memory_space<semaphore_mem>>)
      %dma_wait3A = tpu.memref_slice %arg3[%add3A] : memref<229632xi32, #tpu.memory_space<hbm>> -> memref<7176xi32, #tpu.memory_space<hbm>>
      %dma_wait3A_25 = tpu.memref_slice %arg3[%add3A] : memref<229632xi32, #tpu.memory_space<hbm>> -> memref<7176xi32, #tpu.memory_space<hbm>>
      tpu.wait_dma2 semaphore(%run_scoped3A : memref<!tpu.dma_semaphore, #tpu.memory_space<semaphore_mem>>) src(%arg6 : memref<7176xi32, #tpu.memory_space<vmem>>) dst(%dma_wait3A_25 : memref<7176xi32, #tpu.memory_space<hbm>>)
      tpu.yield
    }) : () -> ()
    return
  }
}

#map = affine_map<(d0, d1) -> (0, 0)>
#map1 = affine_map<(d0, d1) -> (0)>
module attributes {stable_mosaic.version = 14 : i64} {
  func.func @scatter(%arg0: i32, %arg1: i32, %arg2: memref<100000x256xf32, #tpu.memory_space<hbm>>, %arg3: memref<100000x256xf32, #tpu.memory_space<hbm>>, %arg4: memref<229632xi32, #tpu.memory_space<hbm>>, %arg5: memref<200000x256xf32, #tpu.memory_space<hbm>>, %arg6: memref<128xi32, #tpu.memory_space<vmem>>, %arg7: memref<128xi32, #tpu.memory_space<vmem>>, %arg8: memref<128xi32, #tpu.memory_space<vmem>>, %arg9: memref<128x256xf32, #tpu.memory_space<vmem>>, %arg10: memref<128x256xf32, #tpu.memory_space<vmem>>, %arg11: memref<128x256xf32, #tpu.memory_space<vmem>>, %arg12: memref<32xi32, #tpu.memory_space<vmem>>, %arg13: memref<32x256xf32, #tpu.memory_space<vmem>>, %arg14: memref<32xi32, #tpu.memory_space<vmem>>, %arg15: memref<32x256xf32, #tpu.memory_space<vmem>>, %arg16: memref<!tpu.dma_semaphore, #tpu.memory_space<semaphore_mem>>, %arg17: memref<!tpu.dma_semaphore, #tpu.memory_space<semaphore_mem>>, %arg18: memref<!tpu.dma_semaphore, #tpu.memory_space<semaphore_mem>>, %arg19: memref<!tpu.dma_semaphore, #tpu.memory_space<semaphore_mem>>, %arg20: memref<!tpu.dma_semaphore, #tpu.memory_space<semaphore_mem>>, %arg21: memref<!tpu.dma_semaphore, #tpu.memory_space<semaphore_mem>>, %arg22: memref<!tpu.dma_semaphore, #tpu.memory_space<semaphore_mem>>) attributes {dimension_semantics = [#tpu.dimension_semantics<core_parallel>, #tpu.dimension_semantics<subcore_parallel>], iteration_bounds = array<i64: 2, 16>, scalar_prefetch = 0 : i64, scratch_operands = 17 : i64, tpu.core_type = #tpu.core_type<sc_vector_subcore>, window_params = [{transform_indices = #map}, {transform_indices = #map}, {transform_indices = #map1}, {transform_indices = #map}]} {
    %mul3A = arith.constant 2 : i32
    %mul3A_0 = arith.muli %arg1, %mul3A : i32
    %add3A = arith.addi %mul3A_0, %arg0 : i32
    %lt3A = arith.constant 13 : i32
    %lt3A_1 = arith.cmpi slt, %add3A, %lt3A : i32
    %jit3A = arith.constant 1 : i32
    %jit3A_2 = arith.constant 0 : i32
    %select_n3A = arith.select %lt3A_1, %jit3A, %jit3A_2 : i32
    %add3A_3 = arith.constant 24 : i32
    %add3A_4 = arith.addi %add3A_3, %select_n3A : i32
    %while3A = arith.constant 0 : i32
    %while3A_5 = arith.constant 0 : i32
    %while3A_6 = arith.subi %add3A_4, %while3A_5 : i32
    %while3A_7 = arith.addi %while3A_5, %while3A_6 : i32
    %while3A_8 = arith.constant 1 : i32
    %while3A_9 = arith.divsi %while3A_6, %while3A_8 : i32
    %while3A_10 = arith.muli %while3A_9, %while3A_8 : i32
    %while3A_11 = arith.addi %while3A_5, %while3A_10 : i32
    %while3A_12 = arith.constant 1 : i32
    scf.for %while3A_55 = %while3A_5 to %while3A_11 step %while3A_12  : i32 {
      %jit3A_56 = arith.constant 3 : i32
      %eq3A_57 = arith.constant 0 : i32
      %eq3A_58 = arith.cmpi eq, %jit3A_56, %eq3A_57 : i32
      %jit3A_59 = arith.constant 1 : i32
      %select_n3A_60 = arith.select %eq3A_58, %jit3A_59, %jit3A_56 : i32
      %rem3A = arith.remsi %while3A_55, %select_n3A_60 : i32
      %ne3A = arith.constant 0 : i32
      %ne3A_61 = arith.cmpi ne, %rem3A, %ne3A : i32
      %lt3A_62 = arith.constant 0 : i32
      %lt3A_63 = arith.cmpi slt, %rem3A, %lt3A_62 : i32
      %lt3A_64 = arith.constant 0 : i32
      %lt3A_65 = arith.cmpi slt, %select_n3A_60, %lt3A_64 : i32
      %ne3A_66 = arith.xori %lt3A_63, %lt3A_65 : i1
      %and3A = arith.andi %ne3A_66, %ne3A_61 : i1
      %add3A_67 = arith.addi %rem3A, %select_n3A_60 : i32
      %select_n3A_68 = arith.select %and3A, %add3A_67, %rem3A : i32
      %eq3A_69 = arith.constant 0 : i32
      %eq3A_70 = arith.cmpi eq, %select_n3A_68, %eq3A_69 : i32
      %convert_element_type3A_71 = arith.extui %eq3A_70 : i1 to i32
      %cond3A_72 = arith.constant 0 : i32
      %cond3A_73 = arith.cmpi ne, %convert_element_type3A_71, %cond3A_72 : i32
      scf.if %cond3A_73 {
        %mul3A_116 = arith.constant 32 : i32
        %mul3A_117 = arith.muli %mul3A_116, %while3A_55 : i32
        %add3A_118 = arith.addi %add3A, %mul3A_117 : i32
        %ge3A = arith.constant 781 : i32
        %ge3A_119 = arith.cmpi sge, %add3A_118, %ge3A : i32
        %sub3A = arith.constant 781 : i32
        %sub3A_120 = arith.subi %add3A_118, %sub3A : i32
        %select_n3A_121 = arith.select %ge3A_119, %sub3A_120, %add3A_118 : i32
        %ge3A_122 = arith.constant 3 : i32
        %ge3A_123 = arith.cmpi sge, %while3A_55, %ge3A_122 : i32
        %convert_element_type3A_124 = arith.extui %ge3A_123 : i1 to i32
        %cond3A_125 = arith.constant 0 : i32
        %cond3A_126 = arith.cmpi ne, %convert_element_type3A_124, %cond3A_125 : i32
        scf.if %cond3A_126 {
          %dma_wait3A_147 = arith.constant 0 : i32
          %dma_wait3A_148 = arith.constant 0 : i32
          %dma_wait3A_149 = tpu.memref_slice %arg5[%dma_wait3A_147, %dma_wait3A_148] : memref<200000x256xf32, #tpu.memory_space<hbm>> -> memref<200000x256xf32, #tpu.memory_space<hbm>>
          tpu.wait_indirect_dma semaphore(%arg19 : memref<!tpu.dma_semaphore, #tpu.memory_space<semaphore_mem>>) src(%arg9 : memref<128x256xf32, #tpu.memory_space<vmem>>) dst(%dma_wait3A_149 : memref<200000x256xf32, #tpu.memory_space<hbm>>)
        } else {
        }
        %mul3A_127 = arith.constant 128 : i32
        %mul3A_128 = arith.muli %select_n3A_121, %mul3A_127 : i32
        %add3A_129 = arith.constant 0 : i32
        %add3A_130 = arith.addi %add3A_129, %mul3A_128 : i32
        %dma_start3A = tpu.memref_slice %arg4[%add3A_130] : memref<229632xi32, #tpu.memory_space<hbm>> -> memref<128xi32, #tpu.memory_space<hbm>>
        %dma_start3A_131 = tpu.memref_slice %arg4[%add3A_130] : memref<229632xi32, #tpu.memory_space<hbm>> -> memref<128xi32, #tpu.memory_space<hbm>>
        tpu.enqueue_dma source(%dma_start3A_131 : memref<128xi32, #tpu.memory_space<hbm>>) target(%arg6 : memref<128xi32, #tpu.memory_space<vmem>>) target_semaphore(%arg16 : memref<!tpu.dma_semaphore, #tpu.memory_space<semaphore_mem>>)
        %mul3A_132 = arith.constant 128 : i32
        %mul3A_133 = arith.muli %select_n3A_121, %mul3A_132 : i32
        %dma_start3A_134 = arith.constant 0 : i32
        %dma_start3A_135 = tpu.memref_slice %arg2[%mul3A_133, %dma_start3A_134] : memref<100000x256xf32, #tpu.memory_space<hbm>> -> memref<128x256xf32, #tpu.memory_space<hbm>>
        %dma_start3A_136 = arith.constant 0 : i32
        %dma_start3A_137 = tpu.memref_slice %arg2[%mul3A_133, %dma_start3A_136] : memref<100000x256xf32, #tpu.memory_space<hbm>> -> memref<128x256xf32, #tpu.memory_space<hbm>>
        tpu.enqueue_dma source(%dma_start3A_137 : memref<128x256xf32, #tpu.memory_space<hbm>>) target(%arg9 : memref<128x256xf32, #tpu.memory_space<vmem>>) target_semaphore(%arg16 : memref<!tpu.dma_semaphore, #tpu.memory_space<semaphore_mem>>)
        %dma_wait3A_138 = tpu.memref_slice %arg4[%add3A_130] : memref<229632xi32, #tpu.memory_space<hbm>> -> memref<128xi32, #tpu.memory_space<hbm>>
        %dma_wait3A_139 = tpu.memref_slice %arg4[%add3A_130] : memref<229632xi32, #tpu.memory_space<hbm>> -> memref<128xi32, #tpu.memory_space<hbm>>
        tpu.wait_dma2 semaphore(%arg16 : memref<!tpu.dma_semaphore, #tpu.memory_space<semaphore_mem>>) src(%dma_wait3A_139 : memref<128xi32, #tpu.memory_space<hbm>>) dst(%arg6 : memref<128xi32, #tpu.memory_space<vmem>>)
        %dma_wait3A_140 = arith.constant 0 : i32
        %dma_wait3A_141 = tpu.memref_slice %arg2[%mul3A_133, %dma_wait3A_140] : memref<100000x256xf32, #tpu.memory_space<hbm>> -> memref<128x256xf32, #tpu.memory_space<hbm>>
        %dma_wait3A_142 = arith.constant 0 : i32
        %dma_wait3A_143 = tpu.memref_slice %arg2[%mul3A_133, %dma_wait3A_142] : memref<100000x256xf32, #tpu.memory_space<hbm>> -> memref<128x256xf32, #tpu.memory_space<hbm>>
        tpu.wait_dma2 semaphore(%arg16 : memref<!tpu.dma_semaphore, #tpu.memory_space<semaphore_mem>>) src(%dma_wait3A_143 : memref<128x256xf32, #tpu.memory_space<hbm>>) dst(%arg9 : memref<128x256xf32, #tpu.memory_space<vmem>>)
        %dma_start3A_144 = arith.constant 0 : i32
        %dma_start3A_145 = arith.constant 0 : i32
        %dma_start3A_146 = tpu.memref_slice %arg5[%dma_start3A_144, %dma_start3A_145] : memref<200000x256xf32, #tpu.memory_space<hbm>> -> memref<200000x256xf32, #tpu.memory_space<hbm>>
        tpu.enqueue_indirect_dma source(%arg9 : memref<128x256xf32, #tpu.memory_space<vmem>>) target(%dma_start3A_146 : memref<200000x256xf32, #tpu.memory_space<hbm>>) offsets(%arg6 : memref<128xi32, #tpu.memory_space<vmem>>) semaphore(%arg19 : memref<!tpu.dma_semaphore, #tpu.memory_space<semaphore_mem>>)
      } else {
      }
      %jit3A_74 = arith.constant 3 : i32
      %eq3A_75 = arith.constant 0 : i32
      %eq3A_76 = arith.cmpi eq, %jit3A_74, %eq3A_75 : i32
      %jit3A_77 = arith.constant 1 : i32
      %select_n3A_78 = arith.select %eq3A_76, %jit3A_77, %jit3A_74 : i32
      %rem3A_79 = arith.remsi %while3A_55, %select_n3A_78 : i32
      %ne3A_80 = arith.constant 0 : i32
      %ne3A_81 = arith.cmpi ne, %rem3A_79, %ne3A_80 : i32
      %lt3A_82 = arith.constant 0 : i32
      %lt3A_83 = arith.cmpi slt, %rem3A_79, %lt3A_82 : i32
      %lt3A_84 = arith.constant 0 : i32
      %lt3A_85 = arith.cmpi slt, %select_n3A_78, %lt3A_84 : i32
      %ne3A_86 = arith.xori %lt3A_83, %lt3A_85 : i1
      %and3A_87 = arith.andi %ne3A_86, %ne3A_81 : i1
      %add3A_88 = arith.addi %rem3A_79, %select_n3A_78 : i32
      %select_n3A_89 = arith.select %and3A_87, %add3A_88, %rem3A_79 : i32
      %eq3A_90 = arith.constant 1 : i32
      %eq3A_91 = arith.cmpi eq, %select_n3A_89, %eq3A_90 : i32
      %convert_element_type3A_92 = arith.extui %eq3A_91 : i1 to i32
      %cond3A_93 = arith.constant 0 : i32
      %cond3A_94 = arith.cmpi ne, %convert_element_type3A_92, %cond3A_93 : i32
      scf.if %cond3A_94 {
        %mul3A_116 = arith.constant 32 : i32
        %mul3A_117 = arith.muli %mul3A_116, %while3A_55 : i32
        %add3A_118 = arith.addi %add3A, %mul3A_117 : i32
        %ge3A = arith.constant 781 : i32
        %ge3A_119 = arith.cmpi sge, %add3A_118, %ge3A : i32
        %sub3A = arith.constant 781 : i32
        %sub3A_120 = arith.subi %add3A_118, %sub3A : i32
        %select_n3A_121 = arith.select %ge3A_119, %sub3A_120, %add3A_118 : i32
        %ge3A_122 = arith.constant 3 : i32
        %ge3A_123 = arith.cmpi sge, %while3A_55, %ge3A_122 : i32
        %convert_element_type3A_124 = arith.extui %ge3A_123 : i1 to i32
        %cond3A_125 = arith.constant 0 : i32
        %cond3A_126 = arith.cmpi ne, %convert_element_type3A_124, %cond3A_125 : i32
        scf.if %cond3A_126 {
          %dma_wait3A_147 = arith.constant 0 : i32
          %dma_wait3A_148 = arith.constant 0 : i32
          %dma_wait3A_149 = tpu.memref_slice %arg5[%dma_wait3A_147, %dma_wait3A_148] : memref<200000x256xf32, #tpu.memory_space<hbm>> -> memref<200000x256xf32, #tpu.memory_space<hbm>>
          tpu.wait_indirect_dma semaphore(%arg20 : memref<!tpu.dma_semaphore, #tpu.memory_space<semaphore_mem>>) src(%arg10 : memref<128x256xf32, #tpu.memory_space<vmem>>) dst(%dma_wait3A_149 : memref<200000x256xf32, #tpu.memory_space<hbm>>)
        } else {
        }
        %mul3A_127 = arith.constant 128 : i32
        %mul3A_128 = arith.muli %select_n3A_121, %mul3A_127 : i32
        %add3A_129 = arith.constant 0 : i32
        %add3A_130 = arith.addi %add3A_129, %mul3A_128 : i32
        %dma_start3A = tpu.memref_slice %arg4[%add3A_130] : memref<229632xi32, #tpu.memory_space<hbm>> -> memref<128xi32, #tpu.memory_space<hbm>>
        %dma_start3A_131 = tpu.memref_slice %arg4[%add3A_130] : memref<229632xi32, #tpu.memory_space<hbm>> -> memref<128xi32, #tpu.memory_space<hbm>>
        tpu.enqueue_dma source(%dma_start3A_131 : memref<128xi32, #tpu.memory_space<hbm>>) target(%arg7 : memref<128xi32, #tpu.memory_space<vmem>>) target_semaphore(%arg17 : memref<!tpu.dma_semaphore, #tpu.memory_space<semaphore_mem>>)
        %mul3A_132 = arith.constant 128 : i32
        %mul3A_133 = arith.muli %select_n3A_121, %mul3A_132 : i32
        %dma_start3A_134 = arith.constant 0 : i32
        %dma_start3A_135 = tpu.memref_slice %arg2[%mul3A_133, %dma_start3A_134] : memref<100000x256xf32, #tpu.memory_space<hbm>> -> memref<128x256xf32, #tpu.memory_space<hbm>>
        %dma_start3A_136 = arith.constant 0 : i32
        %dma_start3A_137 = tpu.memref_slice %arg2[%mul3A_133, %dma_start3A_136] : memref<100000x256xf32, #tpu.memory_space<hbm>> -> memref<128x256xf32, #tpu.memory_space<hbm>>
        tpu.enqueue_dma source(%dma_start3A_137 : memref<128x256xf32, #tpu.memory_space<hbm>>) target(%arg10 : memref<128x256xf32, #tpu.memory_space<vmem>>) target_semaphore(%arg17 : memref<!tpu.dma_semaphore, #tpu.memory_space<semaphore_mem>>)
        %dma_wait3A_138 = tpu.memref_slice %arg4[%add3A_130] : memref<229632xi32, #tpu.memory_space<hbm>> -> memref<128xi32, #tpu.memory_space<hbm>>
        %dma_wait3A_139 = tpu.memref_slice %arg4[%add3A_130] : memref<229632xi32, #tpu.memory_space<hbm>> -> memref<128xi32, #tpu.memory_space<hbm>>
        tpu.wait_dma2 semaphore(%arg17 : memref<!tpu.dma_semaphore, #tpu.memory_space<semaphore_mem>>) src(%dma_wait3A_139 : memref<128xi32, #tpu.memory_space<hbm>>) dst(%arg7 : memref<128xi32, #tpu.memory_space<vmem>>)
        %dma_wait3A_140 = arith.constant 0 : i32
        %dma_wait3A_141 = tpu.memref_slice %arg2[%mul3A_133, %dma_wait3A_140] : memref<100000x256xf32, #tpu.memory_space<hbm>> -> memref<128x256xf32, #tpu.memory_space<hbm>>
        %dma_wait3A_142 = arith.constant 0 : i32
        %dma_wait3A_143 = tpu.memref_slice %arg2[%mul3A_133, %dma_wait3A_142] : memref<100000x256xf32, #tpu.memory_space<hbm>> -> memref<128x256xf32, #tpu.memory_space<hbm>>
        tpu.wait_dma2 semaphore(%arg17 : memref<!tpu.dma_semaphore, #tpu.memory_space<semaphore_mem>>) src(%dma_wait3A_143 : memref<128x256xf32, #tpu.memory_space<hbm>>) dst(%arg10 : memref<128x256xf32, #tpu.memory_space<vmem>>)
        %dma_start3A_144 = arith.constant 0 : i32
        %dma_start3A_145 = arith.constant 0 : i32
        %dma_start3A_146 = tpu.memref_slice %arg5[%dma_start3A_144, %dma_start3A_145] : memref<200000x256xf32, #tpu.memory_space<hbm>> -> memref<200000x256xf32, #tpu.memory_space<hbm>>
        tpu.enqueue_indirect_dma source(%arg10 : memref<128x256xf32, #tpu.memory_space<vmem>>) target(%dma_start3A_146 : memref<200000x256xf32, #tpu.memory_space<hbm>>) offsets(%arg7 : memref<128xi32, #tpu.memory_space<vmem>>) semaphore(%arg20 : memref<!tpu.dma_semaphore, #tpu.memory_space<semaphore_mem>>)
      } else {
      }
      %jit3A_95 = arith.constant 3 : i32
      %eq3A_96 = arith.constant 0 : i32
      %eq3A_97 = arith.cmpi eq, %jit3A_95, %eq3A_96 : i32
      %jit3A_98 = arith.constant 1 : i32
      %select_n3A_99 = arith.select %eq3A_97, %jit3A_98, %jit3A_95 : i32
      %rem3A_100 = arith.remsi %while3A_55, %select_n3A_99 : i32
      %ne3A_101 = arith.constant 0 : i32
      %ne3A_102 = arith.cmpi ne, %rem3A_100, %ne3A_101 : i32
      %lt3A_103 = arith.constant 0 : i32
      %lt3A_104 = arith.cmpi slt, %rem3A_100, %lt3A_103 : i32
      %lt3A_105 = arith.constant 0 : i32
      %lt3A_106 = arith.cmpi slt, %select_n3A_99, %lt3A_105 : i32
      %ne3A_107 = arith.xori %lt3A_104, %lt3A_106 : i1
      %and3A_108 = arith.andi %ne3A_107, %ne3A_102 : i1
      %add3A_109 = arith.addi %rem3A_100, %select_n3A_99 : i32
      %select_n3A_110 = arith.select %and3A_108, %add3A_109, %rem3A_100 : i32
      %eq3A_111 = arith.constant 2 : i32
      %eq3A_112 = arith.cmpi eq, %select_n3A_110, %eq3A_111 : i32
      %convert_element_type3A_113 = arith.extui %eq3A_112 : i1 to i32
      %cond3A_114 = arith.constant 0 : i32
      %cond3A_115 = arith.cmpi ne, %convert_element_type3A_113, %cond3A_114 : i32
      scf.if %cond3A_115 {
        %mul3A_116 = arith.constant 32 : i32
        %mul3A_117 = arith.muli %mul3A_116, %while3A_55 : i32
        %add3A_118 = arith.addi %add3A, %mul3A_117 : i32
        %ge3A = arith.constant 781 : i32
        %ge3A_119 = arith.cmpi sge, %add3A_118, %ge3A : i32
        %sub3A = arith.constant 781 : i32
        %sub3A_120 = arith.subi %add3A_118, %sub3A : i32
        %select_n3A_121 = arith.select %ge3A_119, %sub3A_120, %add3A_118 : i32
        %ge3A_122 = arith.constant 3 : i32
        %ge3A_123 = arith.cmpi sge, %while3A_55, %ge3A_122 : i32
        %convert_element_type3A_124 = arith.extui %ge3A_123 : i1 to i32
        %cond3A_125 = arith.constant 0 : i32
        %cond3A_126 = arith.cmpi ne, %convert_element_type3A_124, %cond3A_125 : i32
        scf.if %cond3A_126 {
          %dma_wait3A_147 = arith.constant 0 : i32
          %dma_wait3A_148 = arith.constant 0 : i32
          %dma_wait3A_149 = tpu.memref_slice %arg5[%dma_wait3A_147, %dma_wait3A_148] : memref<200000x256xf32, #tpu.memory_space<hbm>> -> memref<200000x256xf32, #tpu.memory_space<hbm>>
          tpu.wait_indirect_dma semaphore(%arg21 : memref<!tpu.dma_semaphore, #tpu.memory_space<semaphore_mem>>) src(%arg11 : memref<128x256xf32, #tpu.memory_space<vmem>>) dst(%dma_wait3A_149 : memref<200000x256xf32, #tpu.memory_space<hbm>>)
        } else {
        }
        %mul3A_127 = arith.constant 128 : i32
        %mul3A_128 = arith.muli %select_n3A_121, %mul3A_127 : i32
        %add3A_129 = arith.constant 0 : i32
        %add3A_130 = arith.addi %add3A_129, %mul3A_128 : i32
        %dma_start3A = tpu.memref_slice %arg4[%add3A_130] : memref<229632xi32, #tpu.memory_space<hbm>> -> memref<128xi32, #tpu.memory_space<hbm>>
        %dma_start3A_131 = tpu.memref_slice %arg4[%add3A_130] : memref<229632xi32, #tpu.memory_space<hbm>> -> memref<128xi32, #tpu.memory_space<hbm>>
        tpu.enqueue_dma source(%dma_start3A_131 : memref<128xi32, #tpu.memory_space<hbm>>) target(%arg8 : memref<128xi32, #tpu.memory_space<vmem>>) target_semaphore(%arg18 : memref<!tpu.dma_semaphore, #tpu.memory_space<semaphore_mem>>)
        %mul3A_132 = arith.constant 128 : i32
        %mul3A_133 = arith.muli %select_n3A_121, %mul3A_132 : i32
        %dma_start3A_134 = arith.constant 0 : i32
        %dma_start3A_135 = tpu.memref_slice %arg2[%mul3A_133, %dma_start3A_134] : memref<100000x256xf32, #tpu.memory_space<hbm>> -> memref<128x256xf32, #tpu.memory_space<hbm>>
        %dma_start3A_136 = arith.constant 0 : i32
        %dma_start3A_137 = tpu.memref_slice %arg2[%mul3A_133, %dma_start3A_136] : memref<100000x256xf32, #tpu.memory_space<hbm>> -> memref<128x256xf32, #tpu.memory_space<hbm>>
        tpu.enqueue_dma source(%dma_start3A_137 : memref<128x256xf32, #tpu.memory_space<hbm>>) target(%arg11 : memref<128x256xf32, #tpu.memory_space<vmem>>) target_semaphore(%arg18 : memref<!tpu.dma_semaphore, #tpu.memory_space<semaphore_mem>>)
        %dma_wait3A_138 = tpu.memref_slice %arg4[%add3A_130] : memref<229632xi32, #tpu.memory_space<hbm>> -> memref<128xi32, #tpu.memory_space<hbm>>
        %dma_wait3A_139 = tpu.memref_slice %arg4[%add3A_130] : memref<229632xi32, #tpu.memory_space<hbm>> -> memref<128xi32, #tpu.memory_space<hbm>>
        tpu.wait_dma2 semaphore(%arg18 : memref<!tpu.dma_semaphore, #tpu.memory_space<semaphore_mem>>) src(%dma_wait3A_139 : memref<128xi32, #tpu.memory_space<hbm>>) dst(%arg8 : memref<128xi32, #tpu.memory_space<vmem>>)
        %dma_wait3A_140 = arith.constant 0 : i32
        %dma_wait3A_141 = tpu.memref_slice %arg2[%mul3A_133, %dma_wait3A_140] : memref<100000x256xf32, #tpu.memory_space<hbm>> -> memref<128x256xf32, #tpu.memory_space<hbm>>
        %dma_wait3A_142 = arith.constant 0 : i32
        %dma_wait3A_143 = tpu.memref_slice %arg2[%mul3A_133, %dma_wait3A_142] : memref<100000x256xf32, #tpu.memory_space<hbm>> -> memref<128x256xf32, #tpu.memory_space<hbm>>
        tpu.wait_dma2 semaphore(%arg18 : memref<!tpu.dma_semaphore, #tpu.memory_space<semaphore_mem>>) src(%dma_wait3A_143 : memref<128x256xf32, #tpu.memory_space<hbm>>) dst(%arg11 : memref<128x256xf32, #tpu.memory_space<vmem>>)
        %dma_start3A_144 = arith.constant 0 : i32
        %dma_start3A_145 = arith.constant 0 : i32
        %dma_start3A_146 = tpu.memref_slice %arg5[%dma_start3A_144, %dma_start3A_145] : memref<200000x256xf32, #tpu.memory_space<hbm>> -> memref<200000x256xf32, #tpu.memory_space<hbm>>
        tpu.enqueue_indirect_dma source(%arg11 : memref<128x256xf32, #tpu.memory_space<vmem>>) target(%dma_start3A_146 : memref<200000x256xf32, #tpu.memory_space<hbm>>) offsets(%arg8 : memref<128xi32, #tpu.memory_space<vmem>>) semaphore(%arg21 : memref<!tpu.dma_semaphore, #tpu.memory_space<semaphore_mem>>)
      } else {
      }
    }
    %while3A_13 = arith.constant 1 : i32
    scf.for %while3A_55 = %while3A_11 to %while3A_7 step %while3A_13  : i32 {
      %jit3A_56 = arith.constant 3 : i32
      %eq3A_57 = arith.constant 0 : i32
      %eq3A_58 = arith.cmpi eq, %jit3A_56, %eq3A_57 : i32
      %jit3A_59 = arith.constant 1 : i32
      %select_n3A_60 = arith.select %eq3A_58, %jit3A_59, %jit3A_56 : i32
      %rem3A = arith.remsi %while3A_55, %select_n3A_60 : i32
      %ne3A = arith.constant 0 : i32
      %ne3A_61 = arith.cmpi ne, %rem3A, %ne3A : i32
      %lt3A_62 = arith.constant 0 : i32
      %lt3A_63 = arith.cmpi slt, %rem3A, %lt3A_62 : i32
      %lt3A_64 = arith.constant 0 : i32
      %lt3A_65 = arith.cmpi slt, %select_n3A_60, %lt3A_64 : i32
      %ne3A_66 = arith.xori %lt3A_63, %lt3A_65 : i1
      %and3A = arith.andi %ne3A_66, %ne3A_61 : i1
      %add3A_67 = arith.addi %rem3A, %select_n3A_60 : i32
      %select_n3A_68 = arith.select %and3A, %add3A_67, %rem3A : i32
      %eq3A_69 = arith.constant 0 : i32
      %eq3A_70 = arith.cmpi eq, %select_n3A_68, %eq3A_69 : i32
      %convert_element_type3A_71 = arith.extui %eq3A_70 : i1 to i32
      %cond3A_72 = arith.constant 0 : i32
      %cond3A_73 = arith.cmpi ne, %convert_element_type3A_71, %cond3A_72 : i32
      scf.if %cond3A_73 {
        %mul3A_116 = arith.constant 32 : i32
        %mul3A_117 = arith.muli %mul3A_116, %while3A_55 : i32
        %add3A_118 = arith.addi %add3A, %mul3A_117 : i32
        %ge3A = arith.constant 781 : i32
        %ge3A_119 = arith.cmpi sge, %add3A_118, %ge3A : i32
        %sub3A = arith.constant 781 : i32
        %sub3A_120 = arith.subi %add3A_118, %sub3A : i32
        %select_n3A_121 = arith.select %ge3A_119, %sub3A_120, %add3A_118 : i32
        %ge3A_122 = arith.constant 3 : i32
        %ge3A_123 = arith.cmpi sge, %while3A_55, %ge3A_122 : i32
        %convert_element_type3A_124 = arith.extui %ge3A_123 : i1 to i32
        %cond3A_125 = arith.constant 0 : i32
        %cond3A_126 = arith.cmpi ne, %convert_element_type3A_124, %cond3A_125 : i32
        scf.if %cond3A_126 {
          %dma_wait3A_147 = arith.constant 0 : i32
          %dma_wait3A_148 = arith.constant 0 : i32
          %dma_wait3A_149 = tpu.memref_slice %arg5[%dma_wait3A_147, %dma_wait3A_148] : memref<200000x256xf32, #tpu.memory_space<hbm>> -> memref<200000x256xf32, #tpu.memory_space<hbm>>
          tpu.wait_indirect_dma semaphore(%arg19 : memref<!tpu.dma_semaphore, #tpu.memory_space<semaphore_mem>>) src(%arg9 : memref<128x256xf32, #tpu.memory_space<vmem>>) dst(%dma_wait3A_149 : memref<200000x256xf32, #tpu.memory_space<hbm>>)
        } else {
        }
        %mul3A_127 = arith.constant 128 : i32
        %mul3A_128 = arith.muli %select_n3A_121, %mul3A_127 : i32
        %add3A_129 = arith.constant 0 : i32
        %add3A_130 = arith.addi %add3A_129, %mul3A_128 : i32
        %dma_start3A = tpu.memref_slice %arg4[%add3A_130] : memref<229632xi32, #tpu.memory_space<hbm>> -> memref<128xi32, #tpu.memory_space<hbm>>
        %dma_start3A_131 = tpu.memref_slice %arg4[%add3A_130] : memref<229632xi32, #tpu.memory_space<hbm>> -> memref<128xi32, #tpu.memory_space<hbm>>
        tpu.enqueue_dma source(%dma_start3A_131 : memref<128xi32, #tpu.memory_space<hbm>>) target(%arg6 : memref<128xi32, #tpu.memory_space<vmem>>) target_semaphore(%arg16 : memref<!tpu.dma_semaphore, #tpu.memory_space<semaphore_mem>>)
        %mul3A_132 = arith.constant 128 : i32
        %mul3A_133 = arith.muli %select_n3A_121, %mul3A_132 : i32
        %dma_start3A_134 = arith.constant 0 : i32
        %dma_start3A_135 = tpu.memref_slice %arg2[%mul3A_133, %dma_start3A_134] : memref<100000x256xf32, #tpu.memory_space<hbm>> -> memref<128x256xf32, #tpu.memory_space<hbm>>
        %dma_start3A_136 = arith.constant 0 : i32
        %dma_start3A_137 = tpu.memref_slice %arg2[%mul3A_133, %dma_start3A_136] : memref<100000x256xf32, #tpu.memory_space<hbm>> -> memref<128x256xf32, #tpu.memory_space<hbm>>
        tpu.enqueue_dma source(%dma_start3A_137 : memref<128x256xf32, #tpu.memory_space<hbm>>) target(%arg9 : memref<128x256xf32, #tpu.memory_space<vmem>>) target_semaphore(%arg16 : memref<!tpu.dma_semaphore, #tpu.memory_space<semaphore_mem>>)
        %dma_wait3A_138 = tpu.memref_slice %arg4[%add3A_130] : memref<229632xi32, #tpu.memory_space<hbm>> -> memref<128xi32, #tpu.memory_space<hbm>>
        %dma_wait3A_139 = tpu.memref_slice %arg4[%add3A_130] : memref<229632xi32, #tpu.memory_space<hbm>> -> memref<128xi32, #tpu.memory_space<hbm>>
        tpu.wait_dma2 semaphore(%arg16 : memref<!tpu.dma_semaphore, #tpu.memory_space<semaphore_mem>>) src(%dma_wait3A_139 : memref<128xi32, #tpu.memory_space<hbm>>) dst(%arg6 : memref<128xi32, #tpu.memory_space<vmem>>)
        %dma_wait3A_140 = arith.constant 0 : i32
        %dma_wait3A_141 = tpu.memref_slice %arg2[%mul3A_133, %dma_wait3A_140] : memref<100000x256xf32, #tpu.memory_space<hbm>> -> memref<128x256xf32, #tpu.memory_space<hbm>>
        %dma_wait3A_142 = arith.constant 0 : i32
        %dma_wait3A_143 = tpu.memref_slice %arg2[%mul3A_133, %dma_wait3A_142] : memref<100000x256xf32, #tpu.memory_space<hbm>> -> memref<128x256xf32, #tpu.memory_space<hbm>>
        tpu.wait_dma2 semaphore(%arg16 : memref<!tpu.dma_semaphore, #tpu.memory_space<semaphore_mem>>) src(%dma_wait3A_143 : memref<128x256xf32, #tpu.memory_space<hbm>>) dst(%arg9 : memref<128x256xf32, #tpu.memory_space<vmem>>)
        %dma_start3A_144 = arith.constant 0 : i32
        %dma_start3A_145 = arith.constant 0 : i32
        %dma_start3A_146 = tpu.memref_slice %arg5[%dma_start3A_144, %dma_start3A_145] : memref<200000x256xf32, #tpu.memory_space<hbm>> -> memref<200000x256xf32, #tpu.memory_space<hbm>>
        tpu.enqueue_indirect_dma source(%arg9 : memref<128x256xf32, #tpu.memory_space<vmem>>) target(%dma_start3A_146 : memref<200000x256xf32, #tpu.memory_space<hbm>>) offsets(%arg6 : memref<128xi32, #tpu.memory_space<vmem>>) semaphore(%arg19 : memref<!tpu.dma_semaphore, #tpu.memory_space<semaphore_mem>>)
      } else {
      }
      %jit3A_74 = arith.constant 3 : i32
      %eq3A_75 = arith.constant 0 : i32
      %eq3A_76 = arith.cmpi eq, %jit3A_74, %eq3A_75 : i32
      %jit3A_77 = arith.constant 1 : i32
      %select_n3A_78 = arith.select %eq3A_76, %jit3A_77, %jit3A_74 : i32
      %rem3A_79 = arith.remsi %while3A_55, %select_n3A_78 : i32
      %ne3A_80 = arith.constant 0 : i32
      %ne3A_81 = arith.cmpi ne, %rem3A_79, %ne3A_80 : i32
      %lt3A_82 = arith.constant 0 : i32
      %lt3A_83 = arith.cmpi slt, %rem3A_79, %lt3A_82 : i32
      %lt3A_84 = arith.constant 0 : i32
      %lt3A_85 = arith.cmpi slt, %select_n3A_78, %lt3A_84 : i32
      %ne3A_86 = arith.xori %lt3A_83, %lt3A_85 : i1
      %and3A_87 = arith.andi %ne3A_86, %ne3A_81 : i1
      %add3A_88 = arith.addi %rem3A_79, %select_n3A_78 : i32
      %select_n3A_89 = arith.select %and3A_87, %add3A_88, %rem3A_79 : i32
      %eq3A_90 = arith.constant 1 : i32
      %eq3A_91 = arith.cmpi eq, %select_n3A_89, %eq3A_90 : i32
      %convert_element_type3A_92 = arith.extui %eq3A_91 : i1 to i32
      %cond3A_93 = arith.constant 0 : i32
      %cond3A_94 = arith.cmpi ne, %convert_element_type3A_92, %cond3A_93 : i32
      scf.if %cond3A_94 {
        %mul3A_116 = arith.constant 32 : i32
        %mul3A_117 = arith.muli %mul3A_116, %while3A_55 : i32
        %add3A_118 = arith.addi %add3A, %mul3A_117 : i32
        %ge3A = arith.constant 781 : i32
        %ge3A_119 = arith.cmpi sge, %add3A_118, %ge3A : i32
        %sub3A = arith.constant 781 : i32
        %sub3A_120 = arith.subi %add3A_118, %sub3A : i32
        %select_n3A_121 = arith.select %ge3A_119, %sub3A_120, %add3A_118 : i32
        %ge3A_122 = arith.constant 3 : i32
        %ge3A_123 = arith.cmpi sge, %while3A_55, %ge3A_122 : i32
        %convert_element_type3A_124 = arith.extui %ge3A_123 : i1 to i32
        %cond3A_125 = arith.constant 0 : i32
        %cond3A_126 = arith.cmpi ne, %convert_element_type3A_124, %cond3A_125 : i32
        scf.if %cond3A_126 {
          %dma_wait3A_147 = arith.constant 0 : i32
          %dma_wait3A_148 = arith.constant 0 : i32
          %dma_wait3A_149 = tpu.memref_slice %arg5[%dma_wait3A_147, %dma_wait3A_148] : memref<200000x256xf32, #tpu.memory_space<hbm>> -> memref<200000x256xf32, #tpu.memory_space<hbm>>
          tpu.wait_indirect_dma semaphore(%arg20 : memref<!tpu.dma_semaphore, #tpu.memory_space<semaphore_mem>>) src(%arg10 : memref<128x256xf32, #tpu.memory_space<vmem>>) dst(%dma_wait3A_149 : memref<200000x256xf32, #tpu.memory_space<hbm>>)
        } else {
        }
        %mul3A_127 = arith.constant 128 : i32
        %mul3A_128 = arith.muli %select_n3A_121, %mul3A_127 : i32
        %add3A_129 = arith.constant 0 : i32
        %add3A_130 = arith.addi %add3A_129, %mul3A_128 : i32
        %dma_start3A = tpu.memref_slice %arg4[%add3A_130] : memref<229632xi32, #tpu.memory_space<hbm>> -> memref<128xi32, #tpu.memory_space<hbm>>
        %dma_start3A_131 = tpu.memref_slice %arg4[%add3A_130] : memref<229632xi32, #tpu.memory_space<hbm>> -> memref<128xi32, #tpu.memory_space<hbm>>
        tpu.enqueue_dma source(%dma_start3A_131 : memref<128xi32, #tpu.memory_space<hbm>>) target(%arg7 : memref<128xi32, #tpu.memory_space<vmem>>) target_semaphore(%arg17 : memref<!tpu.dma_semaphore, #tpu.memory_space<semaphore_mem>>)
        %mul3A_132 = arith.constant 128 : i32
        %mul3A_133 = arith.muli %select_n3A_121, %mul3A_132 : i32
        %dma_start3A_134 = arith.constant 0 : i32
        %dma_start3A_135 = tpu.memref_slice %arg2[%mul3A_133, %dma_start3A_134] : memref<100000x256xf32, #tpu.memory_space<hbm>> -> memref<128x256xf32, #tpu.memory_space<hbm>>
        %dma_start3A_136 = arith.constant 0 : i32
        %dma_start3A_137 = tpu.memref_slice %arg2[%mul3A_133, %dma_start3A_136] : memref<100000x256xf32, #tpu.memory_space<hbm>> -> memref<128x256xf32, #tpu.memory_space<hbm>>
        tpu.enqueue_dma source(%dma_start3A_137 : memref<128x256xf32, #tpu.memory_space<hbm>>) target(%arg10 : memref<128x256xf32, #tpu.memory_space<vmem>>) target_semaphore(%arg17 : memref<!tpu.dma_semaphore, #tpu.memory_space<semaphore_mem>>)
        %dma_wait3A_138 = tpu.memref_slice %arg4[%add3A_130] : memref<229632xi32, #tpu.memory_space<hbm>> -> memref<128xi32, #tpu.memory_space<hbm>>
        %dma_wait3A_139 = tpu.memref_slice %arg4[%add3A_130] : memref<229632xi32, #tpu.memory_space<hbm>> -> memref<128xi32, #tpu.memory_space<hbm>>
        tpu.wait_dma2 semaphore(%arg17 : memref<!tpu.dma_semaphore, #tpu.memory_space<semaphore_mem>>) src(%dma_wait3A_139 : memref<128xi32, #tpu.memory_space<hbm>>) dst(%arg7 : memref<128xi32, #tpu.memory_space<vmem>>)
        %dma_wait3A_140 = arith.constant 0 : i32
        %dma_wait3A_141 = tpu.memref_slice %arg2[%mul3A_133, %dma_wait3A_140] : memref<100000x256xf32, #tpu.memory_space<hbm>> -> memref<128x256xf32, #tpu.memory_space<hbm>>
        %dma_wait3A_142 = arith.constant 0 : i32
        %dma_wait3A_143 = tpu.memref_slice %arg2[%mul3A_133, %dma_wait3A_142] : memref<100000x256xf32, #tpu.memory_space<hbm>> -> memref<128x256xf32, #tpu.memory_space<hbm>>
        tpu.wait_dma2 semaphore(%arg17 : memref<!tpu.dma_semaphore, #tpu.memory_space<semaphore_mem>>) src(%dma_wait3A_143 : memref<128x256xf32, #tpu.memory_space<hbm>>) dst(%arg10 : memref<128x256xf32, #tpu.memory_space<vmem>>)
        %dma_start3A_144 = arith.constant 0 : i32
        %dma_start3A_145 = arith.constant 0 : i32
        %dma_start3A_146 = tpu.memref_slice %arg5[%dma_start3A_144, %dma_start3A_145] : memref<200000x256xf32, #tpu.memory_space<hbm>> -> memref<200000x256xf32, #tpu.memory_space<hbm>>
        tpu.enqueue_indirect_dma source(%arg10 : memref<128x256xf32, #tpu.memory_space<vmem>>) target(%dma_start3A_146 : memref<200000x256xf32, #tpu.memory_space<hbm>>) offsets(%arg7 : memref<128xi32, #tpu.memory_space<vmem>>) semaphore(%arg20 : memref<!tpu.dma_semaphore, #tpu.memory_space<semaphore_mem>>)
      } else {
      }
      %jit3A_95 = arith.constant 3 : i32
      %eq3A_96 = arith.constant 0 : i32
      %eq3A_97 = arith.cmpi eq, %jit3A_95, %eq3A_96 : i32
      %jit3A_98 = arith.constant 1 : i32
      %select_n3A_99 = arith.select %eq3A_97, %jit3A_98, %jit3A_95 : i32
      %rem3A_100 = arith.remsi %while3A_55, %select_n3A_99 : i32
      %ne3A_101 = arith.constant 0 : i32
      %ne3A_102 = arith.cmpi ne, %rem3A_100, %ne3A_101 : i32
      %lt3A_103 = arith.constant 0 : i32
      %lt3A_104 = arith.cmpi slt, %rem3A_100, %lt3A_103 : i32
      %lt3A_105 = arith.constant 0 : i32
      %lt3A_106 = arith.cmpi slt, %select_n3A_99, %lt3A_105 : i32
      %ne3A_107 = arith.xori %lt3A_104, %lt3A_106 : i1
      %and3A_108 = arith.andi %ne3A_107, %ne3A_102 : i1
      %add3A_109 = arith.addi %rem3A_100, %select_n3A_99 : i32
      %select_n3A_110 = arith.select %and3A_108, %add3A_109, %rem3A_100 : i32
      %eq3A_111 = arith.constant 2 : i32
      %eq3A_112 = arith.cmpi eq, %select_n3A_110, %eq3A_111 : i32
      %convert_element_type3A_113 = arith.extui %eq3A_112 : i1 to i32
      %cond3A_114 = arith.constant 0 : i32
      %cond3A_115 = arith.cmpi ne, %convert_element_type3A_113, %cond3A_114 : i32
      scf.if %cond3A_115 {
        %mul3A_116 = arith.constant 32 : i32
        %mul3A_117 = arith.muli %mul3A_116, %while3A_55 : i32
        %add3A_118 = arith.addi %add3A, %mul3A_117 : i32
        %ge3A = arith.constant 781 : i32
        %ge3A_119 = arith.cmpi sge, %add3A_118, %ge3A : i32
        %sub3A = arith.constant 781 : i32
        %sub3A_120 = arith.subi %add3A_118, %sub3A : i32
        %select_n3A_121 = arith.select %ge3A_119, %sub3A_120, %add3A_118 : i32
        %ge3A_122 = arith.constant 3 : i32
        %ge3A_123 = arith.cmpi sge, %while3A_55, %ge3A_122 : i32
        %convert_element_type3A_124 = arith.extui %ge3A_123 : i1 to i32
        %cond3A_125 = arith.constant 0 : i32
        %cond3A_126 = arith.cmpi ne, %convert_element_type3A_124, %cond3A_125 : i32
        scf.if %cond3A_126 {
          %dma_wait3A_147 = arith.constant 0 : i32
          %dma_wait3A_148 = arith.constant 0 : i32
          %dma_wait3A_149 = tpu.memref_slice %arg5[%dma_wait3A_147, %dma_wait3A_148] : memref<200000x256xf32, #tpu.memory_space<hbm>> -> memref<200000x256xf32, #tpu.memory_space<hbm>>
          tpu.wait_indirect_dma semaphore(%arg21 : memref<!tpu.dma_semaphore, #tpu.memory_space<semaphore_mem>>) src(%arg11 : memref<128x256xf32, #tpu.memory_space<vmem>>) dst(%dma_wait3A_149 : memref<200000x256xf32, #tpu.memory_space<hbm>>)
        } else {
        }
        %mul3A_127 = arith.constant 128 : i32
        %mul3A_128 = arith.muli %select_n3A_121, %mul3A_127 : i32
        %add3A_129 = arith.constant 0 : i32
        %add3A_130 = arith.addi %add3A_129, %mul3A_128 : i32
        %dma_start3A = tpu.memref_slice %arg4[%add3A_130] : memref<229632xi32, #tpu.memory_space<hbm>> -> memref<128xi32, #tpu.memory_space<hbm>>
        %dma_start3A_131 = tpu.memref_slice %arg4[%add3A_130] : memref<229632xi32, #tpu.memory_space<hbm>> -> memref<128xi32, #tpu.memory_space<hbm>>
        tpu.enqueue_dma source(%dma_start3A_131 : memref<128xi32, #tpu.memory_space<hbm>>) target(%arg8 : memref<128xi32, #tpu.memory_space<vmem>>) target_semaphore(%arg18 : memref<!tpu.dma_semaphore, #tpu.memory_space<semaphore_mem>>)
        %mul3A_132 = arith.constant 128 : i32
        %mul3A_133 = arith.muli %select_n3A_121, %mul3A_132 : i32
        %dma_start3A_134 = arith.constant 0 : i32
        %dma_start3A_135 = tpu.memref_slice %arg2[%mul3A_133, %dma_start3A_134] : memref<100000x256xf32, #tpu.memory_space<hbm>> -> memref<128x256xf32, #tpu.memory_space<hbm>>
        %dma_start3A_136 = arith.constant 0 : i32
        %dma_start3A_137 = tpu.memref_slice %arg2[%mul3A_133, %dma_start3A_136] : memref<100000x256xf32, #tpu.memory_space<hbm>> -> memref<128x256xf32, #tpu.memory_space<hbm>>
        tpu.enqueue_dma source(%dma_start3A_137 : memref<128x256xf32, #tpu.memory_space<hbm>>) target(%arg11 : memref<128x256xf32, #tpu.memory_space<vmem>>) target_semaphore(%arg18 : memref<!tpu.dma_semaphore, #tpu.memory_space<semaphore_mem>>)
        %dma_wait3A_138 = tpu.memref_slice %arg4[%add3A_130] : memref<229632xi32, #tpu.memory_space<hbm>> -> memref<128xi32, #tpu.memory_space<hbm>>
        %dma_wait3A_139 = tpu.memref_slice %arg4[%add3A_130] : memref<229632xi32, #tpu.memory_space<hbm>> -> memref<128xi32, #tpu.memory_space<hbm>>
        tpu.wait_dma2 semaphore(%arg18 : memref<!tpu.dma_semaphore, #tpu.memory_space<semaphore_mem>>) src(%dma_wait3A_139 : memref<128xi32, #tpu.memory_space<hbm>>) dst(%arg8 : memref<128xi32, #tpu.memory_space<vmem>>)
        %dma_wait3A_140 = arith.constant 0 : i32
        %dma_wait3A_141 = tpu.memref_slice %arg2[%mul3A_133, %dma_wait3A_140] : memref<100000x256xf32, #tpu.memory_space<hbm>> -> memref<128x256xf32, #tpu.memory_space<hbm>>
        %dma_wait3A_142 = arith.constant 0 : i32
        %dma_wait3A_143 = tpu.memref_slice %arg2[%mul3A_133, %dma_wait3A_142] : memref<100000x256xf32, #tpu.memory_space<hbm>> -> memref<128x256xf32, #tpu.memory_space<hbm>>
        tpu.wait_dma2 semaphore(%arg18 : memref<!tpu.dma_semaphore, #tpu.memory_space<semaphore_mem>>) src(%dma_wait3A_143 : memref<128x256xf32, #tpu.memory_space<hbm>>) dst(%arg11 : memref<128x256xf32, #tpu.memory_space<vmem>>)
        %dma_start3A_144 = arith.constant 0 : i32
        %dma_start3A_145 = arith.constant 0 : i32
        %dma_start3A_146 = tpu.memref_slice %arg5[%dma_start3A_144, %dma_start3A_145] : memref<200000x256xf32, #tpu.memory_space<hbm>> -> memref<200000x256xf32, #tpu.memory_space<hbm>>
        tpu.enqueue_indirect_dma source(%arg11 : memref<128x256xf32, #tpu.memory_space<vmem>>) target(%dma_start3A_146 : memref<200000x256xf32, #tpu.memory_space<hbm>>) offsets(%arg8 : memref<128xi32, #tpu.memory_space<vmem>>) semaphore(%arg21 : memref<!tpu.dma_semaphore, #tpu.memory_space<semaphore_mem>>)
      } else {
      }
    }
    %dma_wait3A = arith.constant 0 : i32
    %dma_wait3A_14 = arith.constant 0 : i32
    %dma_wait3A_15 = tpu.memref_slice %arg5[%dma_wait3A, %dma_wait3A_14] : memref<200000x256xf32, #tpu.memory_space<hbm>> -> memref<200000x256xf32, #tpu.memory_space<hbm>>
    tpu.wait_indirect_dma semaphore(%arg19 : memref<!tpu.dma_semaphore, #tpu.memory_space<semaphore_mem>>) src(%arg9 : memref<128x256xf32, #tpu.memory_space<vmem>>) dst(%dma_wait3A_15 : memref<200000x256xf32, #tpu.memory_space<hbm>>)
    %dma_wait3A_16 = arith.constant 0 : i32
    %dma_wait3A_17 = arith.constant 0 : i32
    %dma_wait3A_18 = tpu.memref_slice %arg5[%dma_wait3A_16, %dma_wait3A_17] : memref<200000x256xf32, #tpu.memory_space<hbm>> -> memref<200000x256xf32, #tpu.memory_space<hbm>>
    tpu.wait_indirect_dma semaphore(%arg20 : memref<!tpu.dma_semaphore, #tpu.memory_space<semaphore_mem>>) src(%arg10 : memref<128x256xf32, #tpu.memory_space<vmem>>) dst(%dma_wait3A_18 : memref<200000x256xf32, #tpu.memory_space<hbm>>)
    %dma_wait3A_19 = arith.constant 0 : i32
    %dma_wait3A_20 = arith.constant 0 : i32
    %dma_wait3A_21 = tpu.memref_slice %arg5[%dma_wait3A_19, %dma_wait3A_20] : memref<200000x256xf32, #tpu.memory_space<hbm>> -> memref<200000x256xf32, #tpu.memory_space<hbm>>
    tpu.wait_indirect_dma semaphore(%arg21 : memref<!tpu.dma_semaphore, #tpu.memory_space<semaphore_mem>>) src(%arg11 : memref<128x256xf32, #tpu.memory_space<vmem>>) dst(%dma_wait3A_21 : memref<200000x256xf32, #tpu.memory_space<hbm>>)
    %lt3A_22 = arith.constant 13 : i32
    %lt3A_23 = arith.cmpi slt, %add3A, %lt3A_22 : i32
    %jit3A_24 = arith.constant 1 : i32
    %jit3A_25 = arith.constant 0 : i32
    %select_n3A_26 = arith.select %lt3A_23, %jit3A_24, %jit3A_25 : i32
    %add3A_27 = arith.constant 24 : i32
    %add3A_28 = arith.addi %add3A_27, %select_n3A_26 : i32
    %while3A_29 = arith.constant 0 : i32
    %while3A_30 = arith.constant 0 : i32
    %while3A_31 = arith.subi %add3A_28, %while3A_30 : i32
    %while3A_32 = arith.addi %while3A_30, %while3A_31 : i32
    %while3A_33 = arith.constant 1 : i32
    %while3A_34 = arith.divsi %while3A_31, %while3A_33 : i32
    %while3A_35 = arith.muli %while3A_34, %while3A_33 : i32
    %while3A_36 = arith.addi %while3A_30, %while3A_35 : i32
    %while3A_37 = arith.constant 1 : i32
    scf.for %while3A_55 = %while3A_30 to %while3A_36 step %while3A_37  : i32 {
      %jit3A_56 = arith.constant 3 : i32
      %eq3A_57 = arith.constant 0 : i32
      %eq3A_58 = arith.cmpi eq, %jit3A_56, %eq3A_57 : i32
      %jit3A_59 = arith.constant 1 : i32
      %select_n3A_60 = arith.select %eq3A_58, %jit3A_59, %jit3A_56 : i32
      %rem3A = arith.remsi %while3A_55, %select_n3A_60 : i32
      %ne3A = arith.constant 0 : i32
      %ne3A_61 = arith.cmpi ne, %rem3A, %ne3A : i32
      %lt3A_62 = arith.constant 0 : i32
      %lt3A_63 = arith.cmpi slt, %rem3A, %lt3A_62 : i32
      %lt3A_64 = arith.constant 0 : i32
      %lt3A_65 = arith.cmpi slt, %select_n3A_60, %lt3A_64 : i32
      %ne3A_66 = arith.xori %lt3A_63, %lt3A_65 : i1
      %and3A = arith.andi %ne3A_66, %ne3A_61 : i1
      %add3A_67 = arith.addi %rem3A, %select_n3A_60 : i32
      %select_n3A_68 = arith.select %and3A, %add3A_67, %rem3A : i32
      %eq3A_69 = arith.constant 0 : i32
      %eq3A_70 = arith.cmpi eq, %select_n3A_68, %eq3A_69 : i32
      %convert_element_type3A_71 = arith.extui %eq3A_70 : i1 to i32
      %cond3A_72 = arith.constant 0 : i32
      %cond3A_73 = arith.cmpi ne, %convert_element_type3A_71, %cond3A_72 : i32
      scf.if %cond3A_73 {
        %mul3A_116 = arith.constant 32 : i32
        %mul3A_117 = arith.muli %mul3A_116, %while3A_55 : i32
        %add3A_118 = arith.addi %add3A, %mul3A_117 : i32
        %ge3A = arith.constant 781 : i32
        %ge3A_119 = arith.cmpi sge, %add3A_118, %ge3A : i32
        %sub3A = arith.constant 781 : i32
        %sub3A_120 = arith.subi %add3A_118, %sub3A : i32
        %select_n3A_121 = arith.select %ge3A_119, %sub3A_120, %add3A_118 : i32
        %ge3A_122 = arith.constant 3 : i32
        %ge3A_123 = arith.cmpi sge, %while3A_55, %ge3A_122 : i32
        %convert_element_type3A_124 = arith.extui %ge3A_123 : i1 to i32
        %cond3A_125 = arith.constant 0 : i32
        %cond3A_126 = arith.cmpi ne, %convert_element_type3A_124, %cond3A_125 : i32
        scf.if %cond3A_126 {
          %dma_wait3A_147 = arith.constant 0 : i32
          %dma_wait3A_148 = arith.constant 0 : i32
          %dma_wait3A_149 = tpu.memref_slice %arg5[%dma_wait3A_147, %dma_wait3A_148] : memref<200000x256xf32, #tpu.memory_space<hbm>> -> memref<200000x256xf32, #tpu.memory_space<hbm>>
          tpu.wait_indirect_dma semaphore(%arg19 : memref<!tpu.dma_semaphore, #tpu.memory_space<semaphore_mem>>) src(%arg9 : memref<128x256xf32, #tpu.memory_space<vmem>>) dst(%dma_wait3A_149 : memref<200000x256xf32, #tpu.memory_space<hbm>>)
        } else {
        }
        %mul3A_127 = arith.constant 128 : i32
        %mul3A_128 = arith.muli %select_n3A_121, %mul3A_127 : i32
        %add3A_129 = arith.constant 100096 : i32
        %add3A_130 = arith.addi %add3A_129, %mul3A_128 : i32
        %dma_start3A = tpu.memref_slice %arg4[%add3A_130] : memref<229632xi32, #tpu.memory_space<hbm>> -> memref<128xi32, #tpu.memory_space<hbm>>
        %dma_start3A_131 = tpu.memref_slice %arg4[%add3A_130] : memref<229632xi32, #tpu.memory_space<hbm>> -> memref<128xi32, #tpu.memory_space<hbm>>
        tpu.enqueue_dma source(%dma_start3A_131 : memref<128xi32, #tpu.memory_space<hbm>>) target(%arg6 : memref<128xi32, #tpu.memory_space<vmem>>) target_semaphore(%arg16 : memref<!tpu.dma_semaphore, #tpu.memory_space<semaphore_mem>>)
        %mul3A_132 = arith.constant 128 : i32
        %mul3A_133 = arith.muli %select_n3A_121, %mul3A_132 : i32
        %dma_start3A_134 = arith.constant 0 : i32
        %dma_start3A_135 = tpu.memref_slice %arg3[%mul3A_133, %dma_start3A_134] : memref<100000x256xf32, #tpu.memory_space<hbm>> -> memref<128x256xf32, #tpu.memory_space<hbm>>
        %dma_start3A_136 = arith.constant 0 : i32
        %dma_start3A_137 = tpu.memref_slice %arg3[%mul3A_133, %dma_start3A_136] : memref<100000x256xf32, #tpu.memory_space<hbm>> -> memref<128x256xf32, #tpu.memory_space<hbm>>
        tpu.enqueue_dma source(%dma_start3A_137 : memref<128x256xf32, #tpu.memory_space<hbm>>) target(%arg9 : memref<128x256xf32, #tpu.memory_space<vmem>>) target_semaphore(%arg16 : memref<!tpu.dma_semaphore, #tpu.memory_space<semaphore_mem>>)
        %dma_wait3A_138 = tpu.memref_slice %arg4[%add3A_130] : memref<229632xi32, #tpu.memory_space<hbm>> -> memref<128xi32, #tpu.memory_space<hbm>>
        %dma_wait3A_139 = tpu.memref_slice %arg4[%add3A_130] : memref<229632xi32, #tpu.memory_space<hbm>> -> memref<128xi32, #tpu.memory_space<hbm>>
        tpu.wait_dma2 semaphore(%arg16 : memref<!tpu.dma_semaphore, #tpu.memory_space<semaphore_mem>>) src(%dma_wait3A_139 : memref<128xi32, #tpu.memory_space<hbm>>) dst(%arg6 : memref<128xi32, #tpu.memory_space<vmem>>)
        %dma_wait3A_140 = arith.constant 0 : i32
        %dma_wait3A_141 = tpu.memref_slice %arg3[%mul3A_133, %dma_wait3A_140] : memref<100000x256xf32, #tpu.memory_space<hbm>> -> memref<128x256xf32, #tpu.memory_space<hbm>>
        %dma_wait3A_142 = arith.constant 0 : i32
        %dma_wait3A_143 = tpu.memref_slice %arg3[%mul3A_133, %dma_wait3A_142] : memref<100000x256xf32, #tpu.memory_space<hbm>> -> memref<128x256xf32, #tpu.memory_space<hbm>>
        tpu.wait_dma2 semaphore(%arg16 : memref<!tpu.dma_semaphore, #tpu.memory_space<semaphore_mem>>) src(%dma_wait3A_143 : memref<128x256xf32, #tpu.memory_space<hbm>>) dst(%arg9 : memref<128x256xf32, #tpu.memory_space<vmem>>)
        %dma_start3A_144 = arith.constant 0 : i32
        %dma_start3A_145 = arith.constant 0 : i32
        %dma_start3A_146 = tpu.memref_slice %arg5[%dma_start3A_144, %dma_start3A_145] : memref<200000x256xf32, #tpu.memory_space<hbm>> -> memref<200000x256xf32, #tpu.memory_space<hbm>>
        tpu.enqueue_indirect_dma source(%arg9 : memref<128x256xf32, #tpu.memory_space<vmem>>) target(%dma_start3A_146 : memref<200000x256xf32, #tpu.memory_space<hbm>>) offsets(%arg6 : memref<128xi32, #tpu.memory_space<vmem>>) semaphore(%arg19 : memref<!tpu.dma_semaphore, #tpu.memory_space<semaphore_mem>>)
      } else {
      }
      %jit3A_74 = arith.constant 3 : i32
      %eq3A_75 = arith.constant 0 : i32
      %eq3A_76 = arith.cmpi eq, %jit3A_74, %eq3A_75 : i32
      %jit3A_77 = arith.constant 1 : i32
      %select_n3A_78 = arith.select %eq3A_76, %jit3A_77, %jit3A_74 : i32
      %rem3A_79 = arith.remsi %while3A_55, %select_n3A_78 : i32
      %ne3A_80 = arith.constant 0 : i32
      %ne3A_81 = arith.cmpi ne, %rem3A_79, %ne3A_80 : i32
      %lt3A_82 = arith.constant 0 : i32
      %lt3A_83 = arith.cmpi slt, %rem3A_79, %lt3A_82 : i32
      %lt3A_84 = arith.constant 0 : i32
      %lt3A_85 = arith.cmpi slt, %select_n3A_78, %lt3A_84 : i32
      %ne3A_86 = arith.xori %lt3A_83, %lt3A_85 : i1
      %and3A_87 = arith.andi %ne3A_86, %ne3A_81 : i1
      %add3A_88 = arith.addi %rem3A_79, %select_n3A_78 : i32
      %select_n3A_89 = arith.select %and3A_87, %add3A_88, %rem3A_79 : i32
      %eq3A_90 = arith.constant 1 : i32
      %eq3A_91 = arith.cmpi eq, %select_n3A_89, %eq3A_90 : i32
      %convert_element_type3A_92 = arith.extui %eq3A_91 : i1 to i32
      %cond3A_93 = arith.constant 0 : i32
      %cond3A_94 = arith.cmpi ne, %convert_element_type3A_92, %cond3A_93 : i32
      scf.if %cond3A_94 {
        %mul3A_116 = arith.constant 32 : i32
        %mul3A_117 = arith.muli %mul3A_116, %while3A_55 : i32
        %add3A_118 = arith.addi %add3A, %mul3A_117 : i32
        %ge3A = arith.constant 781 : i32
        %ge3A_119 = arith.cmpi sge, %add3A_118, %ge3A : i32
        %sub3A = arith.constant 781 : i32
        %sub3A_120 = arith.subi %add3A_118, %sub3A : i32
        %select_n3A_121 = arith.select %ge3A_119, %sub3A_120, %add3A_118 : i32
        %ge3A_122 = arith.constant 3 : i32
        %ge3A_123 = arith.cmpi sge, %while3A_55, %ge3A_122 : i32
        %convert_element_type3A_124 = arith.extui %ge3A_123 : i1 to i32
        %cond3A_125 = arith.constant 0 : i32
        %cond3A_126 = arith.cmpi ne, %convert_element_type3A_124, %cond3A_125 : i32
        scf.if %cond3A_126 {
          %dma_wait3A_147 = arith.constant 0 : i32
          %dma_wait3A_148 = arith.constant 0 : i32
          %dma_wait3A_149 = tpu.memref_slice %arg5[%dma_wait3A_147, %dma_wait3A_148] : memref<200000x256xf32, #tpu.memory_space<hbm>> -> memref<200000x256xf32, #tpu.memory_space<hbm>>
          tpu.wait_indirect_dma semaphore(%arg20 : memref<!tpu.dma_semaphore, #tpu.memory_space<semaphore_mem>>) src(%arg10 : memref<128x256xf32, #tpu.memory_space<vmem>>) dst(%dma_wait3A_149 : memref<200000x256xf32, #tpu.memory_space<hbm>>)
        } else {
        }
        %mul3A_127 = arith.constant 128 : i32
        %mul3A_128 = arith.muli %select_n3A_121, %mul3A_127 : i32
        %add3A_129 = arith.constant 100096 : i32
        %add3A_130 = arith.addi %add3A_129, %mul3A_128 : i32
        %dma_start3A = tpu.memref_slice %arg4[%add3A_130] : memref<229632xi32, #tpu.memory_space<hbm>> -> memref<128xi32, #tpu.memory_space<hbm>>
        %dma_start3A_131 = tpu.memref_slice %arg4[%add3A_130] : memref<229632xi32, #tpu.memory_space<hbm>> -> memref<128xi32, #tpu.memory_space<hbm>>
        tpu.enqueue_dma source(%dma_start3A_131 : memref<128xi32, #tpu.memory_space<hbm>>) target(%arg7 : memref<128xi32, #tpu.memory_space<vmem>>) target_semaphore(%arg17 : memref<!tpu.dma_semaphore, #tpu.memory_space<semaphore_mem>>)
        %mul3A_132 = arith.constant 128 : i32
        %mul3A_133 = arith.muli %select_n3A_121, %mul3A_132 : i32
        %dma_start3A_134 = arith.constant 0 : i32
        %dma_start3A_135 = tpu.memref_slice %arg3[%mul3A_133, %dma_start3A_134] : memref<100000x256xf32, #tpu.memory_space<hbm>> -> memref<128x256xf32, #tpu.memory_space<hbm>>
        %dma_start3A_136 = arith.constant 0 : i32
        %dma_start3A_137 = tpu.memref_slice %arg3[%mul3A_133, %dma_start3A_136] : memref<100000x256xf32, #tpu.memory_space<hbm>> -> memref<128x256xf32, #tpu.memory_space<hbm>>
        tpu.enqueue_dma source(%dma_start3A_137 : memref<128x256xf32, #tpu.memory_space<hbm>>) target(%arg10 : memref<128x256xf32, #tpu.memory_space<vmem>>) target_semaphore(%arg17 : memref<!tpu.dma_semaphore, #tpu.memory_space<semaphore_mem>>)
        %dma_wait3A_138 = tpu.memref_slice %arg4[%add3A_130] : memref<229632xi32, #tpu.memory_space<hbm>> -> memref<128xi32, #tpu.memory_space<hbm>>
        %dma_wait3A_139 = tpu.memref_slice %arg4[%add3A_130] : memref<229632xi32, #tpu.memory_space<hbm>> -> memref<128xi32, #tpu.memory_space<hbm>>
        tpu.wait_dma2 semaphore(%arg17 : memref<!tpu.dma_semaphore, #tpu.memory_space<semaphore_mem>>) src(%dma_wait3A_139 : memref<128xi32, #tpu.memory_space<hbm>>) dst(%arg7 : memref<128xi32, #tpu.memory_space<vmem>>)
        %dma_wait3A_140 = arith.constant 0 : i32
        %dma_wait3A_141 = tpu.memref_slice %arg3[%mul3A_133, %dma_wait3A_140] : memref<100000x256xf32, #tpu.memory_space<hbm>> -> memref<128x256xf32, #tpu.memory_space<hbm>>
        %dma_wait3A_142 = arith.constant 0 : i32
        %dma_wait3A_143 = tpu.memref_slice %arg3[%mul3A_133, %dma_wait3A_142] : memref<100000x256xf32, #tpu.memory_space<hbm>> -> memref<128x256xf32, #tpu.memory_space<hbm>>
        tpu.wait_dma2 semaphore(%arg17 : memref<!tpu.dma_semaphore, #tpu.memory_space<semaphore_mem>>) src(%dma_wait3A_143 : memref<128x256xf32, #tpu.memory_space<hbm>>) dst(%arg10 : memref<128x256xf32, #tpu.memory_space<vmem>>)
        %dma_start3A_144 = arith.constant 0 : i32
        %dma_start3A_145 = arith.constant 0 : i32
        %dma_start3A_146 = tpu.memref_slice %arg5[%dma_start3A_144, %dma_start3A_145] : memref<200000x256xf32, #tpu.memory_space<hbm>> -> memref<200000x256xf32, #tpu.memory_space<hbm>>
        tpu.enqueue_indirect_dma source(%arg10 : memref<128x256xf32, #tpu.memory_space<vmem>>) target(%dma_start3A_146 : memref<200000x256xf32, #tpu.memory_space<hbm>>) offsets(%arg7 : memref<128xi32, #tpu.memory_space<vmem>>) semaphore(%arg20 : memref<!tpu.dma_semaphore, #tpu.memory_space<semaphore_mem>>)
      } else {
      }
      %jit3A_95 = arith.constant 3 : i32
      %eq3A_96 = arith.constant 0 : i32
      %eq3A_97 = arith.cmpi eq, %jit3A_95, %eq3A_96 : i32
      %jit3A_98 = arith.constant 1 : i32
      %select_n3A_99 = arith.select %eq3A_97, %jit3A_98, %jit3A_95 : i32
      %rem3A_100 = arith.remsi %while3A_55, %select_n3A_99 : i32
      %ne3A_101 = arith.constant 0 : i32
      %ne3A_102 = arith.cmpi ne, %rem3A_100, %ne3A_101 : i32
      %lt3A_103 = arith.constant 0 : i32
      %lt3A_104 = arith.cmpi slt, %rem3A_100, %lt3A_103 : i32
      %lt3A_105 = arith.constant 0 : i32
      %lt3A_106 = arith.cmpi slt, %select_n3A_99, %lt3A_105 : i32
      %ne3A_107 = arith.xori %lt3A_104, %lt3A_106 : i1
      %and3A_108 = arith.andi %ne3A_107, %ne3A_102 : i1
      %add3A_109 = arith.addi %rem3A_100, %select_n3A_99 : i32
      %select_n3A_110 = arith.select %and3A_108, %add3A_109, %rem3A_100 : i32
      %eq3A_111 = arith.constant 2 : i32
      %eq3A_112 = arith.cmpi eq, %select_n3A_110, %eq3A_111 : i32
      %convert_element_type3A_113 = arith.extui %eq3A_112 : i1 to i32
      %cond3A_114 = arith.constant 0 : i32
      %cond3A_115 = arith.cmpi ne, %convert_element_type3A_113, %cond3A_114 : i32
      scf.if %cond3A_115 {
        %mul3A_116 = arith.constant 32 : i32
        %mul3A_117 = arith.muli %mul3A_116, %while3A_55 : i32
        %add3A_118 = arith.addi %add3A, %mul3A_117 : i32
        %ge3A = arith.constant 781 : i32
        %ge3A_119 = arith.cmpi sge, %add3A_118, %ge3A : i32
        %sub3A = arith.constant 781 : i32
        %sub3A_120 = arith.subi %add3A_118, %sub3A : i32
        %select_n3A_121 = arith.select %ge3A_119, %sub3A_120, %add3A_118 : i32
        %ge3A_122 = arith.constant 3 : i32
        %ge3A_123 = arith.cmpi sge, %while3A_55, %ge3A_122 : i32
        %convert_element_type3A_124 = arith.extui %ge3A_123 : i1 to i32
        %cond3A_125 = arith.constant 0 : i32
        %cond3A_126 = arith.cmpi ne, %convert_element_type3A_124, %cond3A_125 : i32
        scf.if %cond3A_126 {
          %dma_wait3A_147 = arith.constant 0 : i32
          %dma_wait3A_148 = arith.constant 0 : i32
          %dma_wait3A_149 = tpu.memref_slice %arg5[%dma_wait3A_147, %dma_wait3A_148] : memref<200000x256xf32, #tpu.memory_space<hbm>> -> memref<200000x256xf32, #tpu.memory_space<hbm>>
          tpu.wait_indirect_dma semaphore(%arg21 : memref<!tpu.dma_semaphore, #tpu.memory_space<semaphore_mem>>) src(%arg11 : memref<128x256xf32, #tpu.memory_space<vmem>>) dst(%dma_wait3A_149 : memref<200000x256xf32, #tpu.memory_space<hbm>>)
        } else {
        }
        %mul3A_127 = arith.constant 128 : i32
        %mul3A_128 = arith.muli %select_n3A_121, %mul3A_127 : i32
        %add3A_129 = arith.constant 100096 : i32
        %add3A_130 = arith.addi %add3A_129, %mul3A_128 : i32
        %dma_start3A = tpu.memref_slice %arg4[%add3A_130] : memref<229632xi32, #tpu.memory_space<hbm>> -> memref<128xi32, #tpu.memory_space<hbm>>
        %dma_start3A_131 = tpu.memref_slice %arg4[%add3A_130] : memref<229632xi32, #tpu.memory_space<hbm>> -> memref<128xi32, #tpu.memory_space<hbm>>
        tpu.enqueue_dma source(%dma_start3A_131 : memref<128xi32, #tpu.memory_space<hbm>>) target(%arg8 : memref<128xi32, #tpu.memory_space<vmem>>) target_semaphore(%arg18 : memref<!tpu.dma_semaphore, #tpu.memory_space<semaphore_mem>>)
        %mul3A_132 = arith.constant 128 : i32
        %mul3A_133 = arith.muli %select_n3A_121, %mul3A_132 : i32
        %dma_start3A_134 = arith.constant 0 : i32
        %dma_start3A_135 = tpu.memref_slice %arg3[%mul3A_133, %dma_start3A_134] : memref<100000x256xf32, #tpu.memory_space<hbm>> -> memref<128x256xf32, #tpu.memory_space<hbm>>
        %dma_start3A_136 = arith.constant 0 : i32
        %dma_start3A_137 = tpu.memref_slice %arg3[%mul3A_133, %dma_start3A_136] : memref<100000x256xf32, #tpu.memory_space<hbm>> -> memref<128x256xf32, #tpu.memory_space<hbm>>
        tpu.enqueue_dma source(%dma_start3A_137 : memref<128x256xf32, #tpu.memory_space<hbm>>) target(%arg11 : memref<128x256xf32, #tpu.memory_space<vmem>>) target_semaphore(%arg18 : memref<!tpu.dma_semaphore, #tpu.memory_space<semaphore_mem>>)
        %dma_wait3A_138 = tpu.memref_slice %arg4[%add3A_130] : memref<229632xi32, #tpu.memory_space<hbm>> -> memref<128xi32, #tpu.memory_space<hbm>>
        %dma_wait3A_139 = tpu.memref_slice %arg4[%add3A_130] : memref<229632xi32, #tpu.memory_space<hbm>> -> memref<128xi32, #tpu.memory_space<hbm>>
        tpu.wait_dma2 semaphore(%arg18 : memref<!tpu.dma_semaphore, #tpu.memory_space<semaphore_mem>>) src(%dma_wait3A_139 : memref<128xi32, #tpu.memory_space<hbm>>) dst(%arg8 : memref<128xi32, #tpu.memory_space<vmem>>)
        %dma_wait3A_140 = arith.constant 0 : i32
        %dma_wait3A_141 = tpu.memref_slice %arg3[%mul3A_133, %dma_wait3A_140] : memref<100000x256xf32, #tpu.memory_space<hbm>> -> memref<128x256xf32, #tpu.memory_space<hbm>>
        %dma_wait3A_142 = arith.constant 0 : i32
        %dma_wait3A_143 = tpu.memref_slice %arg3[%mul3A_133, %dma_wait3A_142] : memref<100000x256xf32, #tpu.memory_space<hbm>> -> memref<128x256xf32, #tpu.memory_space<hbm>>
        tpu.wait_dma2 semaphore(%arg18 : memref<!tpu.dma_semaphore, #tpu.memory_space<semaphore_mem>>) src(%dma_wait3A_143 : memref<128x256xf32, #tpu.memory_space<hbm>>) dst(%arg11 : memref<128x256xf32, #tpu.memory_space<vmem>>)
        %dma_start3A_144 = arith.constant 0 : i32
        %dma_start3A_145 = arith.constant 0 : i32
        %dma_start3A_146 = tpu.memref_slice %arg5[%dma_start3A_144, %dma_start3A_145] : memref<200000x256xf32, #tpu.memory_space<hbm>> -> memref<200000x256xf32, #tpu.memory_space<hbm>>
        tpu.enqueue_indirect_dma source(%arg11 : memref<128x256xf32, #tpu.memory_space<vmem>>) target(%dma_start3A_146 : memref<200000x256xf32, #tpu.memory_space<hbm>>) offsets(%arg8 : memref<128xi32, #tpu.memory_space<vmem>>) semaphore(%arg21 : memref<!tpu.dma_semaphore, #tpu.memory_space<semaphore_mem>>)
      } else {
      }
    }
    %while3A_38 = arith.constant 1 : i32
    scf.for %while3A_55 = %while3A_36 to %while3A_32 step %while3A_38  : i32 {
      %jit3A_56 = arith.constant 3 : i32
      %eq3A_57 = arith.constant 0 : i32
      %eq3A_58 = arith.cmpi eq, %jit3A_56, %eq3A_57 : i32
      %jit3A_59 = arith.constant 1 : i32
      %select_n3A_60 = arith.select %eq3A_58, %jit3A_59, %jit3A_56 : i32
      %rem3A = arith.remsi %while3A_55, %select_n3A_60 : i32
      %ne3A = arith.constant 0 : i32
      %ne3A_61 = arith.cmpi ne, %rem3A, %ne3A : i32
      %lt3A_62 = arith.constant 0 : i32
      %lt3A_63 = arith.cmpi slt, %rem3A, %lt3A_62 : i32
      %lt3A_64 = arith.constant 0 : i32
      %lt3A_65 = arith.cmpi slt, %select_n3A_60, %lt3A_64 : i32
      %ne3A_66 = arith.xori %lt3A_63, %lt3A_65 : i1
      %and3A = arith.andi %ne3A_66, %ne3A_61 : i1
      %add3A_67 = arith.addi %rem3A, %select_n3A_60 : i32
      %select_n3A_68 = arith.select %and3A, %add3A_67, %rem3A : i32
      %eq3A_69 = arith.constant 0 : i32
      %eq3A_70 = arith.cmpi eq, %select_n3A_68, %eq3A_69 : i32
      %convert_element_type3A_71 = arith.extui %eq3A_70 : i1 to i32
      %cond3A_72 = arith.constant 0 : i32
      %cond3A_73 = arith.cmpi ne, %convert_element_type3A_71, %cond3A_72 : i32
      scf.if %cond3A_73 {
        %mul3A_116 = arith.constant 32 : i32
        %mul3A_117 = arith.muli %mul3A_116, %while3A_55 : i32
        %add3A_118 = arith.addi %add3A, %mul3A_117 : i32
        %ge3A = arith.constant 781 : i32
        %ge3A_119 = arith.cmpi sge, %add3A_118, %ge3A : i32
        %sub3A = arith.constant 781 : i32
        %sub3A_120 = arith.subi %add3A_118, %sub3A : i32
        %select_n3A_121 = arith.select %ge3A_119, %sub3A_120, %add3A_118 : i32
        %ge3A_122 = arith.constant 3 : i32
        %ge3A_123 = arith.cmpi sge, %while3A_55, %ge3A_122 : i32
        %convert_element_type3A_124 = arith.extui %ge3A_123 : i1 to i32
        %cond3A_125 = arith.constant 0 : i32
        %cond3A_126 = arith.cmpi ne, %convert_element_type3A_124, %cond3A_125 : i32
        scf.if %cond3A_126 {
          %dma_wait3A_147 = arith.constant 0 : i32
          %dma_wait3A_148 = arith.constant 0 : i32
          %dma_wait3A_149 = tpu.memref_slice %arg5[%dma_wait3A_147, %dma_wait3A_148] : memref<200000x256xf32, #tpu.memory_space<hbm>> -> memref<200000x256xf32, #tpu.memory_space<hbm>>
          tpu.wait_indirect_dma semaphore(%arg19 : memref<!tpu.dma_semaphore, #tpu.memory_space<semaphore_mem>>) src(%arg9 : memref<128x256xf32, #tpu.memory_space<vmem>>) dst(%dma_wait3A_149 : memref<200000x256xf32, #tpu.memory_space<hbm>>)
        } else {
        }
        %mul3A_127 = arith.constant 128 : i32
        %mul3A_128 = arith.muli %select_n3A_121, %mul3A_127 : i32
        %add3A_129 = arith.constant 100096 : i32
        %add3A_130 = arith.addi %add3A_129, %mul3A_128 : i32
        %dma_start3A = tpu.memref_slice %arg4[%add3A_130] : memref<229632xi32, #tpu.memory_space<hbm>> -> memref<128xi32, #tpu.memory_space<hbm>>
        %dma_start3A_131 = tpu.memref_slice %arg4[%add3A_130] : memref<229632xi32, #tpu.memory_space<hbm>> -> memref<128xi32, #tpu.memory_space<hbm>>
        tpu.enqueue_dma source(%dma_start3A_131 : memref<128xi32, #tpu.memory_space<hbm>>) target(%arg6 : memref<128xi32, #tpu.memory_space<vmem>>) target_semaphore(%arg16 : memref<!tpu.dma_semaphore, #tpu.memory_space<semaphore_mem>>)
        %mul3A_132 = arith.constant 128 : i32
        %mul3A_133 = arith.muli %select_n3A_121, %mul3A_132 : i32
        %dma_start3A_134 = arith.constant 0 : i32
        %dma_start3A_135 = tpu.memref_slice %arg3[%mul3A_133, %dma_start3A_134] : memref<100000x256xf32, #tpu.memory_space<hbm>> -> memref<128x256xf32, #tpu.memory_space<hbm>>
        %dma_start3A_136 = arith.constant 0 : i32
        %dma_start3A_137 = tpu.memref_slice %arg3[%mul3A_133, %dma_start3A_136] : memref<100000x256xf32, #tpu.memory_space<hbm>> -> memref<128x256xf32, #tpu.memory_space<hbm>>
        tpu.enqueue_dma source(%dma_start3A_137 : memref<128x256xf32, #tpu.memory_space<hbm>>) target(%arg9 : memref<128x256xf32, #tpu.memory_space<vmem>>) target_semaphore(%arg16 : memref<!tpu.dma_semaphore, #tpu.memory_space<semaphore_mem>>)
        %dma_wait3A_138 = tpu.memref_slice %arg4[%add3A_130] : memref<229632xi32, #tpu.memory_space<hbm>> -> memref<128xi32, #tpu.memory_space<hbm>>
        %dma_wait3A_139 = tpu.memref_slice %arg4[%add3A_130] : memref<229632xi32, #tpu.memory_space<hbm>> -> memref<128xi32, #tpu.memory_space<hbm>>
        tpu.wait_dma2 semaphore(%arg16 : memref<!tpu.dma_semaphore, #tpu.memory_space<semaphore_mem>>) src(%dma_wait3A_139 : memref<128xi32, #tpu.memory_space<hbm>>) dst(%arg6 : memref<128xi32, #tpu.memory_space<vmem>>)
        %dma_wait3A_140 = arith.constant 0 : i32
        %dma_wait3A_141 = tpu.memref_slice %arg3[%mul3A_133, %dma_wait3A_140] : memref<100000x256xf32, #tpu.memory_space<hbm>> -> memref<128x256xf32, #tpu.memory_space<hbm>>
        %dma_wait3A_142 = arith.constant 0 : i32
        %dma_wait3A_143 = tpu.memref_slice %arg3[%mul3A_133, %dma_wait3A_142] : memref<100000x256xf32, #tpu.memory_space<hbm>> -> memref<128x256xf32, #tpu.memory_space<hbm>>
        tpu.wait_dma2 semaphore(%arg16 : memref<!tpu.dma_semaphore, #tpu.memory_space<semaphore_mem>>) src(%dma_wait3A_143 : memref<128x256xf32, #tpu.memory_space<hbm>>) dst(%arg9 : memref<128x256xf32, #tpu.memory_space<vmem>>)
        %dma_start3A_144 = arith.constant 0 : i32
        %dma_start3A_145 = arith.constant 0 : i32
        %dma_start3A_146 = tpu.memref_slice %arg5[%dma_start3A_144, %dma_start3A_145] : memref<200000x256xf32, #tpu.memory_space<hbm>> -> memref<200000x256xf32, #tpu.memory_space<hbm>>
        tpu.enqueue_indirect_dma source(%arg9 : memref<128x256xf32, #tpu.memory_space<vmem>>) target(%dma_start3A_146 : memref<200000x256xf32, #tpu.memory_space<hbm>>) offsets(%arg6 : memref<128xi32, #tpu.memory_space<vmem>>) semaphore(%arg19 : memref<!tpu.dma_semaphore, #tpu.memory_space<semaphore_mem>>)
      } else {
      }
      %jit3A_74 = arith.constant 3 : i32
      %eq3A_75 = arith.constant 0 : i32
      %eq3A_76 = arith.cmpi eq, %jit3A_74, %eq3A_75 : i32
      %jit3A_77 = arith.constant 1 : i32
      %select_n3A_78 = arith.select %eq3A_76, %jit3A_77, %jit3A_74 : i32
      %rem3A_79 = arith.remsi %while3A_55, %select_n3A_78 : i32
      %ne3A_80 = arith.constant 0 : i32
      %ne3A_81 = arith.cmpi ne, %rem3A_79, %ne3A_80 : i32
      %lt3A_82 = arith.constant 0 : i32
      %lt3A_83 = arith.cmpi slt, %rem3A_79, %lt3A_82 : i32
      %lt3A_84 = arith.constant 0 : i32
      %lt3A_85 = arith.cmpi slt, %select_n3A_78, %lt3A_84 : i32
      %ne3A_86 = arith.xori %lt3A_83, %lt3A_85 : i1
      %and3A_87 = arith.andi %ne3A_86, %ne3A_81 : i1
      %add3A_88 = arith.addi %rem3A_79, %select_n3A_78 : i32
      %select_n3A_89 = arith.select %and3A_87, %add3A_88, %rem3A_79 : i32
      %eq3A_90 = arith.constant 1 : i32
      %eq3A_91 = arith.cmpi eq, %select_n3A_89, %eq3A_90 : i32
      %convert_element_type3A_92 = arith.extui %eq3A_91 : i1 to i32
      %cond3A_93 = arith.constant 0 : i32
      %cond3A_94 = arith.cmpi ne, %convert_element_type3A_92, %cond3A_93 : i32
      scf.if %cond3A_94 {
        %mul3A_116 = arith.constant 32 : i32
        %mul3A_117 = arith.muli %mul3A_116, %while3A_55 : i32
        %add3A_118 = arith.addi %add3A, %mul3A_117 : i32
        %ge3A = arith.constant 781 : i32
        %ge3A_119 = arith.cmpi sge, %add3A_118, %ge3A : i32
        %sub3A = arith.constant 781 : i32
        %sub3A_120 = arith.subi %add3A_118, %sub3A : i32
        %select_n3A_121 = arith.select %ge3A_119, %sub3A_120, %add3A_118 : i32
        %ge3A_122 = arith.constant 3 : i32
        %ge3A_123 = arith.cmpi sge, %while3A_55, %ge3A_122 : i32
        %convert_element_type3A_124 = arith.extui %ge3A_123 : i1 to i32
        %cond3A_125 = arith.constant 0 : i32
        %cond3A_126 = arith.cmpi ne, %convert_element_type3A_124, %cond3A_125 : i32
        scf.if %cond3A_126 {
          %dma_wait3A_147 = arith.constant 0 : i32
          %dma_wait3A_148 = arith.constant 0 : i32
          %dma_wait3A_149 = tpu.memref_slice %arg5[%dma_wait3A_147, %dma_wait3A_148] : memref<200000x256xf32, #tpu.memory_space<hbm>> -> memref<200000x256xf32, #tpu.memory_space<hbm>>
          tpu.wait_indirect_dma semaphore(%arg20 : memref<!tpu.dma_semaphore, #tpu.memory_space<semaphore_mem>>) src(%arg10 : memref<128x256xf32, #tpu.memory_space<vmem>>) dst(%dma_wait3A_149 : memref<200000x256xf32, #tpu.memory_space<hbm>>)
        } else {
        }
        %mul3A_127 = arith.constant 128 : i32
        %mul3A_128 = arith.muli %select_n3A_121, %mul3A_127 : i32
        %add3A_129 = arith.constant 100096 : i32
        %add3A_130 = arith.addi %add3A_129, %mul3A_128 : i32
        %dma_start3A = tpu.memref_slice %arg4[%add3A_130] : memref<229632xi32, #tpu.memory_space<hbm>> -> memref<128xi32, #tpu.memory_space<hbm>>
        %dma_start3A_131 = tpu.memref_slice %arg4[%add3A_130] : memref<229632xi32, #tpu.memory_space<hbm>> -> memref<128xi32, #tpu.memory_space<hbm>>
        tpu.enqueue_dma source(%dma_start3A_131 : memref<128xi32, #tpu.memory_space<hbm>>) target(%arg7 : memref<128xi32, #tpu.memory_space<vmem>>) target_semaphore(%arg17 : memref<!tpu.dma_semaphore, #tpu.memory_space<semaphore_mem>>)
        %mul3A_132 = arith.constant 128 : i32
        %mul3A_133 = arith.muli %select_n3A_121, %mul3A_132 : i32
        %dma_start3A_134 = arith.constant 0 : i32
        %dma_start3A_135 = tpu.memref_slice %arg3[%mul3A_133, %dma_start3A_134] : memref<100000x256xf32, #tpu.memory_space<hbm>> -> memref<128x256xf32, #tpu.memory_space<hbm>>
        %dma_start3A_136 = arith.constant 0 : i32
        %dma_start3A_137 = tpu.memref_slice %arg3[%mul3A_133, %dma_start3A_136] : memref<100000x256xf32, #tpu.memory_space<hbm>> -> memref<128x256xf32, #tpu.memory_space<hbm>>
        tpu.enqueue_dma source(%dma_start3A_137 : memref<128x256xf32, #tpu.memory_space<hbm>>) target(%arg10 : memref<128x256xf32, #tpu.memory_space<vmem>>) target_semaphore(%arg17 : memref<!tpu.dma_semaphore, #tpu.memory_space<semaphore_mem>>)
        %dma_wait3A_138 = tpu.memref_slice %arg4[%add3A_130] : memref<229632xi32, #tpu.memory_space<hbm>> -> memref<128xi32, #tpu.memory_space<hbm>>
        %dma_wait3A_139 = tpu.memref_slice %arg4[%add3A_130] : memref<229632xi32, #tpu.memory_space<hbm>> -> memref<128xi32, #tpu.memory_space<hbm>>
        tpu.wait_dma2 semaphore(%arg17 : memref<!tpu.dma_semaphore, #tpu.memory_space<semaphore_mem>>) src(%dma_wait3A_139 : memref<128xi32, #tpu.memory_space<hbm>>) dst(%arg7 : memref<128xi32, #tpu.memory_space<vmem>>)
        %dma_wait3A_140 = arith.constant 0 : i32
        %dma_wait3A_141 = tpu.memref_slice %arg3[%mul3A_133, %dma_wait3A_140] : memref<100000x256xf32, #tpu.memory_space<hbm>> -> memref<128x256xf32, #tpu.memory_space<hbm>>
        %dma_wait3A_142 = arith.constant 0 : i32
        %dma_wait3A_143 = tpu.memref_slice %arg3[%mul3A_133, %dma_wait3A_142] : memref<100000x256xf32, #tpu.memory_space<hbm>> -> memref<128x256xf32, #tpu.memory_space<hbm>>
        tpu.wait_dma2 semaphore(%arg17 : memref<!tpu.dma_semaphore, #tpu.memory_space<semaphore_mem>>) src(%dma_wait3A_143 : memref<128x256xf32, #tpu.memory_space<hbm>>) dst(%arg10 : memref<128x256xf32, #tpu.memory_space<vmem>>)
        %dma_start3A_144 = arith.constant 0 : i32
        %dma_start3A_145 = arith.constant 0 : i32
        %dma_start3A_146 = tpu.memref_slice %arg5[%dma_start3A_144, %dma_start3A_145] : memref<200000x256xf32, #tpu.memory_space<hbm>> -> memref<200000x256xf32, #tpu.memory_space<hbm>>
        tpu.enqueue_indirect_dma source(%arg10 : memref<128x256xf32, #tpu.memory_space<vmem>>) target(%dma_start3A_146 : memref<200000x256xf32, #tpu.memory_space<hbm>>) offsets(%arg7 : memref<128xi32, #tpu.memory_space<vmem>>) semaphore(%arg20 : memref<!tpu.dma_semaphore, #tpu.memory_space<semaphore_mem>>)
      } else {
      }
      %jit3A_95 = arith.constant 3 : i32
      %eq3A_96 = arith.constant 0 : i32
      %eq3A_97 = arith.cmpi eq, %jit3A_95, %eq3A_96 : i32
      %jit3A_98 = arith.constant 1 : i32
      %select_n3A_99 = arith.select %eq3A_97, %jit3A_98, %jit3A_95 : i32
      %rem3A_100 = arith.remsi %while3A_55, %select_n3A_99 : i32
      %ne3A_101 = arith.constant 0 : i32
      %ne3A_102 = arith.cmpi ne, %rem3A_100, %ne3A_101 : i32
      %lt3A_103 = arith.constant 0 : i32
      %lt3A_104 = arith.cmpi slt, %rem3A_100, %lt3A_103 : i32
      %lt3A_105 = arith.constant 0 : i32
      %lt3A_106 = arith.cmpi slt, %select_n3A_99, %lt3A_105 : i32
      %ne3A_107 = arith.xori %lt3A_104, %lt3A_106 : i1
      %and3A_108 = arith.andi %ne3A_107, %ne3A_102 : i1
      %add3A_109 = arith.addi %rem3A_100, %select_n3A_99 : i32
      %select_n3A_110 = arith.select %and3A_108, %add3A_109, %rem3A_100 : i32
      %eq3A_111 = arith.constant 2 : i32
      %eq3A_112 = arith.cmpi eq, %select_n3A_110, %eq3A_111 : i32
      %convert_element_type3A_113 = arith.extui %eq3A_112 : i1 to i32
      %cond3A_114 = arith.constant 0 : i32
      %cond3A_115 = arith.cmpi ne, %convert_element_type3A_113, %cond3A_114 : i32
      scf.if %cond3A_115 {
        %mul3A_116 = arith.constant 32 : i32
        %mul3A_117 = arith.muli %mul3A_116, %while3A_55 : i32
        %add3A_118 = arith.addi %add3A, %mul3A_117 : i32
        %ge3A = arith.constant 781 : i32
        %ge3A_119 = arith.cmpi sge, %add3A_118, %ge3A : i32
        %sub3A = arith.constant 781 : i32
        %sub3A_120 = arith.subi %add3A_118, %sub3A : i32
        %select_n3A_121 = arith.select %ge3A_119, %sub3A_120, %add3A_118 : i32
        %ge3A_122 = arith.constant 3 : i32
        %ge3A_123 = arith.cmpi sge, %while3A_55, %ge3A_122 : i32
        %convert_element_type3A_124 = arith.extui %ge3A_123 : i1 to i32
        %cond3A_125 = arith.constant 0 : i32
        %cond3A_126 = arith.cmpi ne, %convert_element_type3A_124, %cond3A_125 : i32
        scf.if %cond3A_126 {
          %dma_wait3A_147 = arith.constant 0 : i32
          %dma_wait3A_148 = arith.constant 0 : i32
          %dma_wait3A_149 = tpu.memref_slice %arg5[%dma_wait3A_147, %dma_wait3A_148] : memref<200000x256xf32, #tpu.memory_space<hbm>> -> memref<200000x256xf32, #tpu.memory_space<hbm>>
          tpu.wait_indirect_dma semaphore(%arg21 : memref<!tpu.dma_semaphore, #tpu.memory_space<semaphore_mem>>) src(%arg11 : memref<128x256xf32, #tpu.memory_space<vmem>>) dst(%dma_wait3A_149 : memref<200000x256xf32, #tpu.memory_space<hbm>>)
        } else {
        }
        %mul3A_127 = arith.constant 128 : i32
        %mul3A_128 = arith.muli %select_n3A_121, %mul3A_127 : i32
        %add3A_129 = arith.constant 100096 : i32
        %add3A_130 = arith.addi %add3A_129, %mul3A_128 : i32
        %dma_start3A = tpu.memref_slice %arg4[%add3A_130] : memref<229632xi32, #tpu.memory_space<hbm>> -> memref<128xi32, #tpu.memory_space<hbm>>
        %dma_start3A_131 = tpu.memref_slice %arg4[%add3A_130] : memref<229632xi32, #tpu.memory_space<hbm>> -> memref<128xi32, #tpu.memory_space<hbm>>
        tpu.enqueue_dma source(%dma_start3A_131 : memref<128xi32, #tpu.memory_space<hbm>>) target(%arg8 : memref<128xi32, #tpu.memory_space<vmem>>) target_semaphore(%arg18 : memref<!tpu.dma_semaphore, #tpu.memory_space<semaphore_mem>>)
        %mul3A_132 = arith.constant 128 : i32
        %mul3A_133 = arith.muli %select_n3A_121, %mul3A_132 : i32
        %dma_start3A_134 = arith.constant 0 : i32
        %dma_start3A_135 = tpu.memref_slice %arg3[%mul3A_133, %dma_start3A_134] : memref<100000x256xf32, #tpu.memory_space<hbm>> -> memref<128x256xf32, #tpu.memory_space<hbm>>
        %dma_start3A_136 = arith.constant 0 : i32
        %dma_start3A_137 = tpu.memref_slice %arg3[%mul3A_133, %dma_start3A_136] : memref<100000x256xf32, #tpu.memory_space<hbm>> -> memref<128x256xf32, #tpu.memory_space<hbm>>
        tpu.enqueue_dma source(%dma_start3A_137 : memref<128x256xf32, #tpu.memory_space<hbm>>) target(%arg11 : memref<128x256xf32, #tpu.memory_space<vmem>>) target_semaphore(%arg18 : memref<!tpu.dma_semaphore, #tpu.memory_space<semaphore_mem>>)
        %dma_wait3A_138 = tpu.memref_slice %arg4[%add3A_130] : memref<229632xi32, #tpu.memory_space<hbm>> -> memref<128xi32, #tpu.memory_space<hbm>>
        %dma_wait3A_139 = tpu.memref_slice %arg4[%add3A_130] : memref<229632xi32, #tpu.memory_space<hbm>> -> memref<128xi32, #tpu.memory_space<hbm>>
        tpu.wait_dma2 semaphore(%arg18 : memref<!tpu.dma_semaphore, #tpu.memory_space<semaphore_mem>>) src(%dma_wait3A_139 : memref<128xi32, #tpu.memory_space<hbm>>) dst(%arg8 : memref<128xi32, #tpu.memory_space<vmem>>)
        %dma_wait3A_140 = arith.constant 0 : i32
        %dma_wait3A_141 = tpu.memref_slice %arg3[%mul3A_133, %dma_wait3A_140] : memref<100000x256xf32, #tpu.memory_space<hbm>> -> memref<128x256xf32, #tpu.memory_space<hbm>>
        %dma_wait3A_142 = arith.constant 0 : i32
        %dma_wait3A_143 = tpu.memref_slice %arg3[%mul3A_133, %dma_wait3A_142] : memref<100000x256xf32, #tpu.memory_space<hbm>> -> memref<128x256xf32, #tpu.memory_space<hbm>>
        tpu.wait_dma2 semaphore(%arg18 : memref<!tpu.dma_semaphore, #tpu.memory_space<semaphore_mem>>) src(%dma_wait3A_143 : memref<128x256xf32, #tpu.memory_space<hbm>>) dst(%arg11 : memref<128x256xf32, #tpu.memory_space<vmem>>)
        %dma_start3A_144 = arith.constant 0 : i32
        %dma_start3A_145 = arith.constant 0 : i32
        %dma_start3A_146 = tpu.memref_slice %arg5[%dma_start3A_144, %dma_start3A_145] : memref<200000x256xf32, #tpu.memory_space<hbm>> -> memref<200000x256xf32, #tpu.memory_space<hbm>>
        tpu.enqueue_indirect_dma source(%arg11 : memref<128x256xf32, #tpu.memory_space<vmem>>) target(%dma_start3A_146 : memref<200000x256xf32, #tpu.memory_space<hbm>>) offsets(%arg8 : memref<128xi32, #tpu.memory_space<vmem>>) semaphore(%arg21 : memref<!tpu.dma_semaphore, #tpu.memory_space<semaphore_mem>>)
      } else {
      }
    }
    %dma_wait3A_39 = arith.constant 0 : i32
    %dma_wait3A_40 = arith.constant 0 : i32
    %dma_wait3A_41 = tpu.memref_slice %arg5[%dma_wait3A_39, %dma_wait3A_40] : memref<200000x256xf32, #tpu.memory_space<hbm>> -> memref<200000x256xf32, #tpu.memory_space<hbm>>
    tpu.wait_indirect_dma semaphore(%arg19 : memref<!tpu.dma_semaphore, #tpu.memory_space<semaphore_mem>>) src(%arg9 : memref<128x256xf32, #tpu.memory_space<vmem>>) dst(%dma_wait3A_41 : memref<200000x256xf32, #tpu.memory_space<hbm>>)
    %dma_wait3A_42 = arith.constant 0 : i32
    %dma_wait3A_43 = arith.constant 0 : i32
    %dma_wait3A_44 = tpu.memref_slice %arg5[%dma_wait3A_42, %dma_wait3A_43] : memref<200000x256xf32, #tpu.memory_space<hbm>> -> memref<200000x256xf32, #tpu.memory_space<hbm>>
    tpu.wait_indirect_dma semaphore(%arg20 : memref<!tpu.dma_semaphore, #tpu.memory_space<semaphore_mem>>) src(%arg10 : memref<128x256xf32, #tpu.memory_space<vmem>>) dst(%dma_wait3A_44 : memref<200000x256xf32, #tpu.memory_space<hbm>>)
    %dma_wait3A_45 = arith.constant 0 : i32
    %dma_wait3A_46 = arith.constant 0 : i32
    %dma_wait3A_47 = tpu.memref_slice %arg5[%dma_wait3A_45, %dma_wait3A_46] : memref<200000x256xf32, #tpu.memory_space<hbm>> -> memref<200000x256xf32, #tpu.memory_space<hbm>>
    tpu.wait_indirect_dma semaphore(%arg21 : memref<!tpu.dma_semaphore, #tpu.memory_space<semaphore_mem>>) src(%arg11 : memref<128x256xf32, #tpu.memory_space<vmem>>) dst(%dma_wait3A_47 : memref<200000x256xf32, #tpu.memory_space<hbm>>)
    %eq3A = arith.constant 0 : i32
    %eq3A_48 = arith.cmpi eq, %add3A, %eq3A : i32
    %convert_element_type3A = arith.extui %eq3A_48 : i1 to i32
    %cond3A = arith.constant 0 : i32
    %cond3A_49 = arith.cmpi ne, %convert_element_type3A, %cond3A : i32
    scf.if %cond3A_49 {
      "tpu.region"() ({
        %run_scoped3A = tpu.sem_alloc : memref<!tpu.dma_semaphore, #tpu.memory_space<semaphore_mem>>
        %dma_start3A_60 = arith.constant 99968 : i32
        %dma_start3A_61 = tpu.memref_slice %arg4[%dma_start3A_60] : memref<229632xi32, #tpu.memory_space<hbm>> -> memref<32xi32, #tpu.memory_space<hbm>>
        %dma_start3A_62 = arith.constant 99968 : i32
        %dma_start3A_63 = tpu.memref_slice %arg4[%dma_start3A_62] : memref<229632xi32, #tpu.memory_space<hbm>> -> memref<32xi32, #tpu.memory_space<hbm>>
        tpu.enqueue_dma source(%dma_start3A_63 : memref<32xi32, #tpu.memory_space<hbm>>) target(%arg12 : memref<32xi32, #tpu.memory_space<vmem>>) target_semaphore(%run_scoped3A : memref<!tpu.dma_semaphore, #tpu.memory_space<semaphore_mem>>)
        %dma_wait3A_64 = arith.constant 99968 : i32
        %dma_wait3A_65 = tpu.memref_slice %arg4[%dma_wait3A_64] : memref<229632xi32, #tpu.memory_space<hbm>> -> memref<32xi32, #tpu.memory_space<hbm>>
        %dma_wait3A_66 = arith.constant 99968 : i32
        %dma_wait3A_67 = tpu.memref_slice %arg4[%dma_wait3A_66] : memref<229632xi32, #tpu.memory_space<hbm>> -> memref<32xi32, #tpu.memory_space<hbm>>
        tpu.wait_dma2 semaphore(%run_scoped3A : memref<!tpu.dma_semaphore, #tpu.memory_space<semaphore_mem>>) src(%dma_wait3A_67 : memref<32xi32, #tpu.memory_space<hbm>>) dst(%arg12 : memref<32xi32, #tpu.memory_space<vmem>>)
        tpu.yield
      }) : () -> ()
      "tpu.region"() ({
        %run_scoped3A = tpu.sem_alloc : memref<!tpu.dma_semaphore, #tpu.memory_space<semaphore_mem>>
        %dma_start3A_60 = arith.constant 99968 : i32
        %dma_start3A_61 = arith.constant 0 : i32
        %dma_start3A_62 = tpu.memref_slice %arg2[%dma_start3A_60, %dma_start3A_61] : memref<100000x256xf32, #tpu.memory_space<hbm>> -> memref<32x256xf32, #tpu.memory_space<hbm>>
        %dma_start3A_63 = arith.constant 99968 : i32
        %dma_start3A_64 = arith.constant 0 : i32
        %dma_start3A_65 = tpu.memref_slice %arg2[%dma_start3A_63, %dma_start3A_64] : memref<100000x256xf32, #tpu.memory_space<hbm>> -> memref<32x256xf32, #tpu.memory_space<hbm>>
        tpu.enqueue_dma source(%dma_start3A_65 : memref<32x256xf32, #tpu.memory_space<hbm>>) target(%arg13 : memref<32x256xf32, #tpu.memory_space<vmem>>) target_semaphore(%run_scoped3A : memref<!tpu.dma_semaphore, #tpu.memory_space<semaphore_mem>>)
        %dma_wait3A_66 = arith.constant 99968 : i32
        %dma_wait3A_67 = arith.constant 0 : i32
        %dma_wait3A_68 = tpu.memref_slice %arg2[%dma_wait3A_66, %dma_wait3A_67] : memref<100000x256xf32, #tpu.memory_space<hbm>> -> memref<32x256xf32, #tpu.memory_space<hbm>>
        %dma_wait3A_69 = arith.constant 99968 : i32
        %dma_wait3A_70 = arith.constant 0 : i32
        %dma_wait3A_71 = tpu.memref_slice %arg2[%dma_wait3A_69, %dma_wait3A_70] : memref<100000x256xf32, #tpu.memory_space<hbm>> -> memref<32x256xf32, #tpu.memory_space<hbm>>
        tpu.wait_dma2 semaphore(%run_scoped3A : memref<!tpu.dma_semaphore, #tpu.memory_space<semaphore_mem>>) src(%dma_wait3A_71 : memref<32x256xf32, #tpu.memory_space<hbm>>) dst(%arg13 : memref<32x256xf32, #tpu.memory_space<vmem>>)
        tpu.yield
      }) : () -> ()
      %dma_start3A = arith.constant 0 : i32
      %dma_start3A_55 = arith.constant 0 : i32
      %dma_start3A_56 = tpu.memref_slice %arg5[%dma_start3A, %dma_start3A_55] : memref<200000x256xf32, #tpu.memory_space<hbm>> -> memref<200000x256xf32, #tpu.memory_space<hbm>>
      tpu.enqueue_indirect_dma source(%arg13 : memref<32x256xf32, #tpu.memory_space<vmem>>) target(%dma_start3A_56 : memref<200000x256xf32, #tpu.memory_space<hbm>>) offsets(%arg12 : memref<32xi32, #tpu.memory_space<vmem>>) semaphore(%arg22 : memref<!tpu.dma_semaphore, #tpu.memory_space<semaphore_mem>>)
      %dma_wait3A_57 = arith.constant 0 : i32
      %dma_wait3A_58 = arith.constant 0 : i32
      %dma_wait3A_59 = tpu.memref_slice %arg5[%dma_wait3A_57, %dma_wait3A_58] : memref<200000x256xf32, #tpu.memory_space<hbm>> -> memref<200000x256xf32, #tpu.memory_space<hbm>>
      tpu.wait_indirect_dma semaphore(%arg22 : memref<!tpu.dma_semaphore, #tpu.memory_space<semaphore_mem>>) src(%arg13 : memref<32x256xf32, #tpu.memory_space<vmem>>) dst(%dma_wait3A_59 : memref<200000x256xf32, #tpu.memory_space<hbm>>)
    } else {
    }
    %eq3A_50 = arith.constant 1 : i32
    %eq3A_51 = arith.cmpi eq, %add3A, %eq3A_50 : i32
    %convert_element_type3A_52 = arith.extui %eq3A_51 : i1 to i32
    %cond3A_53 = arith.constant 0 : i32
    %cond3A_54 = arith.cmpi ne, %convert_element_type3A_52, %cond3A_53 : i32
    scf.if %cond3A_54 {
      "tpu.region"() ({
        %run_scoped3A = tpu.sem_alloc : memref<!tpu.dma_semaphore, #tpu.memory_space<semaphore_mem>>
        %dma_start3A_60 = arith.constant 200064 : i32
        %dma_start3A_61 = tpu.memref_slice %arg4[%dma_start3A_60] : memref<229632xi32, #tpu.memory_space<hbm>> -> memref<32xi32, #tpu.memory_space<hbm>>
        %dma_start3A_62 = arith.constant 200064 : i32
        %dma_start3A_63 = tpu.memref_slice %arg4[%dma_start3A_62] : memref<229632xi32, #tpu.memory_space<hbm>> -> memref<32xi32, #tpu.memory_space<hbm>>
        tpu.enqueue_dma source(%dma_start3A_63 : memref<32xi32, #tpu.memory_space<hbm>>) target(%arg14 : memref<32xi32, #tpu.memory_space<vmem>>) target_semaphore(%run_scoped3A : memref<!tpu.dma_semaphore, #tpu.memory_space<semaphore_mem>>)
        %dma_wait3A_64 = arith.constant 200064 : i32
        %dma_wait3A_65 = tpu.memref_slice %arg4[%dma_wait3A_64] : memref<229632xi32, #tpu.memory_space<hbm>> -> memref<32xi32, #tpu.memory_space<hbm>>
        %dma_wait3A_66 = arith.constant 200064 : i32
        %dma_wait3A_67 = tpu.memref_slice %arg4[%dma_wait3A_66] : memref<229632xi32, #tpu.memory_space<hbm>> -> memref<32xi32, #tpu.memory_space<hbm>>
        tpu.wait_dma2 semaphore(%run_scoped3A : memref<!tpu.dma_semaphore, #tpu.memory_space<semaphore_mem>>) src(%dma_wait3A_67 : memref<32xi32, #tpu.memory_space<hbm>>) dst(%arg14 : memref<32xi32, #tpu.memory_space<vmem>>)
        tpu.yield
      }) : () -> ()
      "tpu.region"() ({
        %run_scoped3A = tpu.sem_alloc : memref<!tpu.dma_semaphore, #tpu.memory_space<semaphore_mem>>
        %dma_start3A_60 = arith.constant 99968 : i32
        %dma_start3A_61 = arith.constant 0 : i32
        %dma_start3A_62 = tpu.memref_slice %arg3[%dma_start3A_60, %dma_start3A_61] : memref<100000x256xf32, #tpu.memory_space<hbm>> -> memref<32x256xf32, #tpu.memory_space<hbm>>
        %dma_start3A_63 = arith.constant 99968 : i32
        %dma_start3A_64 = arith.constant 0 : i32
        %dma_start3A_65 = tpu.memref_slice %arg3[%dma_start3A_63, %dma_start3A_64] : memref<100000x256xf32, #tpu.memory_space<hbm>> -> memref<32x256xf32, #tpu.memory_space<hbm>>
        tpu.enqueue_dma source(%dma_start3A_65 : memref<32x256xf32, #tpu.memory_space<hbm>>) target(%arg15 : memref<32x256xf32, #tpu.memory_space<vmem>>) target_semaphore(%run_scoped3A : memref<!tpu.dma_semaphore, #tpu.memory_space<semaphore_mem>>)
        %dma_wait3A_66 = arith.constant 99968 : i32
        %dma_wait3A_67 = arith.constant 0 : i32
        %dma_wait3A_68 = tpu.memref_slice %arg3[%dma_wait3A_66, %dma_wait3A_67] : memref<100000x256xf32, #tpu.memory_space<hbm>> -> memref<32x256xf32, #tpu.memory_space<hbm>>
        %dma_wait3A_69 = arith.constant 99968 : i32
        %dma_wait3A_70 = arith.constant 0 : i32
        %dma_wait3A_71 = tpu.memref_slice %arg3[%dma_wait3A_69, %dma_wait3A_70] : memref<100000x256xf32, #tpu.memory_space<hbm>> -> memref<32x256xf32, #tpu.memory_space<hbm>>
        tpu.wait_dma2 semaphore(%run_scoped3A : memref<!tpu.dma_semaphore, #tpu.memory_space<semaphore_mem>>) src(%dma_wait3A_71 : memref<32x256xf32, #tpu.memory_space<hbm>>) dst(%arg15 : memref<32x256xf32, #tpu.memory_space<vmem>>)
        tpu.yield
      }) : () -> ()
      %dma_start3A = arith.constant 0 : i32
      %dma_start3A_55 = arith.constant 0 : i32
      %dma_start3A_56 = tpu.memref_slice %arg5[%dma_start3A, %dma_start3A_55] : memref<200000x256xf32, #tpu.memory_space<hbm>> -> memref<200000x256xf32, #tpu.memory_space<hbm>>
      tpu.enqueue_indirect_dma source(%arg15 : memref<32x256xf32, #tpu.memory_space<vmem>>) target(%dma_start3A_56 : memref<200000x256xf32, #tpu.memory_space<hbm>>) offsets(%arg14 : memref<32xi32, #tpu.memory_space<vmem>>) semaphore(%arg22 : memref<!tpu.dma_semaphore, #tpu.memory_space<semaphore_mem>>)
      %dma_wait3A_57 = arith.constant 0 : i32
      %dma_wait3A_58 = arith.constant 0 : i32
      %dma_wait3A_59 = tpu.memref_slice %arg5[%dma_wait3A_57, %dma_wait3A_58] : memref<200000x256xf32, #tpu.memory_space<hbm>> -> memref<200000x256xf32, #tpu.memory_space<hbm>>
      tpu.wait_indirect_dma semaphore(%arg22 : memref<!tpu.dma_semaphore, #tpu.memory_space<semaphore_mem>>) src(%arg15 : memref<32x256xf32, #tpu.memory_space<vmem>>) dst(%dma_wait3A_59 : memref<200000x256xf32, #tpu.memory_space<hbm>>)
    } else {
    }
    return
  }
}

module attributes {stable_mosaic.version = 14 : i64} {
  func.func @body(%arg0: memref<896x256xi32, #tpu.memory_space<vmem>>, %arg1: memref<896x256xi32, #tpu.memory_space<vmem>>) attributes {dimension_semantics = [], scalar_prefetch = 0 : i64, scratch_operands = 0 : i64, tpu.core_type = #tpu.core_type<tc>} {
    %get3A = arith.constant 0 : index
    %get3A_0 = arith.constant 0 : index
    %get3A_1 = vector.load %arg0[%get3A, %get3A_0] : memref<896x256xi32, #tpu.memory_space<vmem>>, vector<896x256xi32>
    %eq3A = arith.constant 0 : i32
    %eq3A_2 = vector.broadcast %eq3A : i32 to vector<896x256xi32>
    %eq3A_3 = arith.cmpi eq, %get3A_1, %eq3A_2 : vector<896x256xi32>
    %convert_element_type3A = arith.extui %eq3A_3 : vector<896x256xi1> to vector<896x256xi32>
    %convert_element_type3A_4 = arith.sitofp %convert_element_type3A : vector<896x256xi32> to vector<896x256xf32>
    %iota3A = tpu.iota {dimensions = array<i32: 0>} : vector<256x256xi32>
    %iota3A_5 = tpu.iota {dimensions = array<i32: 1>} : vector<256x256xi32>
    %le3A = arith.cmpi sle, %iota3A, %iota3A_5 : vector<256x256xi32>
    %convert_element_type3A_6 = arith.extui %le3A : vector<256x256xi1> to vector<256x256xi32>
    %convert_element_type3A_7 = arith.sitofp %convert_element_type3A_6 : vector<256x256xi32> to vector<256x256xf32>
    %dot_general3A = arith.constant dense<0.000000e+00> : vector<896x256xf32>
    %dot_general3A_8 = tpu.matmul %convert_element_type3A_4, %convert_element_type3A_7, %dot_general3A {dimension_numbers = #tpu.dot_dimension_numbers<[1], [0], [0], [1], [0, 0, 1, 1], [], []>, transpose_lhs_hint = false} : vector<896x256xf32>, vector<256x256xf32>, vector<896x256xf32> -> vector<896x256xf32>
    %reduce_sum3A = arith.constant dense<0.000000e+00> : vector<896xf32>
    %reduce_sum3A_9 = vector.multi_reduction <add>, %convert_element_type3A_4, %reduce_sum3A [1] : vector<896x256xf32> to vector<896xf32>
    %broadcast_in_dim3A = vector.shape_cast %reduce_sum3A_9 : vector<896xf32> to vector<896x1xf32>
    %iota3A_10 = tpu.iota {dimensions = array<i32: 1>} : vector<896x896xi32>
    %iota3A_11 = tpu.iota {dimensions = array<i32: 0>} : vector<896x896xi32>
    %lt3A = arith.cmpi slt, %iota3A_10, %iota3A_11 : vector<896x896xi32>
    %convert_element_type3A_12 = arith.extui %lt3A : vector<896x896xi1> to vector<896x896xi32>
    %convert_element_type3A_13 = arith.sitofp %convert_element_type3A_12 : vector<896x896xi32> to vector<896x896xf32>
    %dot_general3A_14 = arith.constant dense<0.000000e+00> : vector<896x1xf32>
    %dot_general3A_15 = tpu.matmul %convert_element_type3A_13, %broadcast_in_dim3A, %dot_general3A_14 {dimension_numbers = #tpu.dot_dimension_numbers<[1], [0], [0], [1], [0, 0, 1, 1], [], []>, transpose_lhs_hint = false} : vector<896x896xf32>, vector<896x1xf32>, vector<896x1xf32> -> vector<896x1xf32>
    %add3A = vector.broadcast %dot_general3A_15 : vector<896x1xf32> to vector<896x256xf32>
    %add3A_16 = arith.addf %dot_general3A_8, %add3A : vector<896x256xf32>
    %sub3A = arith.subf %add3A_16, %convert_element_type3A_4 : vector<896x256xf32>
    %iota3A_17 = tpu.iota {dimensions = array<i32: 0>} : vector<896x256xi32>
    %mul3A = arith.constant 256 : i32
    %mul3A_18 = vector.broadcast %mul3A : i32 to vector<896x256xi32>
    %mul3A_19 = arith.muli %iota3A_17, %mul3A_18 : vector<896x256xi32>
    %iota3A_20 = tpu.iota {dimensions = array<i32: 1>} : vector<896x256xi32>
    %add3A_21 = arith.addi %mul3A_19, %iota3A_20 : vector<896x256xi32>
    %convert_element_type3A_22 = arith.sitofp %add3A_21 : vector<896x256xi32> to vector<896x256xf32>
    %gt3A = arith.constant 5.000000e-01 : f32
    %gt3A_23 = vector.broadcast %gt3A : f32 to vector<896x256xf32>
    %gt3A_24 = arith.cmpf ogt, %convert_element_type3A_4, %gt3A_23 : vector<896x256xf32>
    %add3A_25 = arith.constant 1.000960e+05 : f32
    %add3A_26 = vector.broadcast %add3A_25 : f32 to vector<896x256xf32>
    %add3A_27 = arith.addf %add3A_26, %convert_element_type3A_22 : vector<896x256xf32>
    %sub3A_28 = arith.subf %add3A_27, %sub3A : vector<896x256xf32>
    %select_n3A = arith.select %gt3A_24, %sub3A, %sub3A_28 : vector<896x256xi1>, vector<896x256xf32>
    %lt3A_29 = arith.constant 2.000000e+05 : f32
    %lt3A_30 = vector.broadcast %lt3A_29 : f32 to vector<896x256xf32>
    %lt3A_31 = arith.cmpf olt, %convert_element_type3A_22, %lt3A_30 : vector<896x256xf32>
    %add3A_32 = arith.constant 2.001920e+05 : f32
    %add3A_33 = vector.broadcast %add3A_32 : f32 to vector<896x256xf32>
    %add3A_34 = arith.addf %add3A_33, %convert_element_type3A_22 : vector<896x256xf32>
    %sub3A_35 = arith.constant 2.000000e+05 : f32
    %sub3A_36 = vector.broadcast %sub3A_35 : f32 to vector<896x256xf32>
    %sub3A_37 = arith.subf %add3A_34, %sub3A_36 : vector<896x256xf32>
    %select_n3A_38 = arith.select %lt3A_31, %select_n3A, %sub3A_37 : vector<896x256xi1>, vector<896x256xf32>
    %convert_element_type3A_39 = arith.fptosi %select_n3A_38 : vector<896x256xf32> to vector<896x256xi32>
    %swap3A = arith.constant 0 : index
    %swap3A_40 = arith.constant 0 : index
    %swap3A_41 = vector.load %arg1[%swap3A, %swap3A_40] : memref<896x256xi32, #tpu.memory_space<vmem>>, vector<896x256xi32>
    tpu.vector_store %arg1[%swap3A, %swap3A_40], %convert_element_type3A_39 {strides = array<i32>} : memref<896x256xi32, #tpu.memory_space<vmem>>, vector<896x256xi32>,
    return
  }
}

</mosaic_0001>

<sc_bundles>
// kernel: kernel.5.cloned.1.call-start
scs
__scs_entry_jumppad:
0x0: {  	(pc) =	sbr.rel $0x88, $3  }
0x1: {  	(tag) =	ssettag $0x0;
	lr =	simm.s32 $0x1  }
0x2: {  	[smem:$0x3F9E] =	sst lr;
	_ =	strace $0xD0000000  }
0x3: {  	_ = 	snop  }
0x4: {  	_ = 	snop  }
0x5: {  	_ = 	snop  }
0x6: {  	_ = 	snop  }
0x7: {  	_ = 	snop  }
__scs_overlays_trampoline_lowered:
0x8: {  	[smem:$0x3FAD] =	sst s0  }
0x9: {  	[smem:$0x3FAE] =	sst s1  }
0xa: {  	[smem:$0x3FAF] =	sst s2  }
0xb: {  	[smem:$0x3FB0] =	sst s3  }
0xc: {  	[smem:$0x3FB1] =	sst s4  }
0xd: {  	[smem:$0x3FB2] =	sst s5  }
0xe: {  	[smem:$0x3FB3] =	sst s6  }
0xf: {  	[smem:$0x3FB4] =	sst s7  }
0x10: {  	[smem:$0x3FB5] =	sst s8  }
0x11: {  	[smem:$0x3FB6] =	sst s9;
	s0 =	simm.s32 @!p0 $0x0  }
0x12: {  	s1 =	sld [smem:$0x3F9C];
	s0 =	simm.s32 @p0 $0x1  }
0x13: {  	[smem:$0x3FB7] =	sst s0;
	s0 =	simm.s32 @!p1 $0x0  }
0x14: {  	s2 =	sld [smem:$0x3F9B];
	s0 =	simm.s32 @p1 $0x1  }
0x15: {  	[smem:$0x3FB8] =	sst s0;
	s0 =	simm.s32 @!p2 $0x0  }
0x16: {  	s3 =	sld [smem:$0x3FDB];
	s0 =	simm.s32 @p2 $0x1  }
0x17: {  	s4 =	simm.s32 $0x1BF5;
	[smem:$0x3FBA] =	sst s0  }
0x18: {  	s0 =	sld [smem:$0x3F9D];
	_ =	swait.ge [sflag:s4], $0x0  }
0x19: {  	s7 =	sld [smem:$0x3F9E]  }
0x1a: {  	s8 =	sadd.s32 $0xFFFFE003, lr  }
0x1b: {  	s9 =	sadd.s32 $0xFFFFFEF7, lr;
	s5 =	simm.s32 $0xFFFFFFFF;
	p2 =	slt.u32 s8, $0xFFFFF086  }
0x1c: {  	p1 =	slt.u32 s9, $0xF7A;
	s5 =	simm.s32 @!p2 $0x0  }
0x1d: {  	s5 =	simm.s32 @p1 $0x1;
	p0 =	seq.s32 s7, s2  }
0x1e: {  	s7 =	smul.u32 @!p0 $0xF7A, s2;
	p2 =	seq.s32 @!p0 s5, $0x0  }
0x1f: {  	s9 =	smul.u32 $0xF7A, s1;
	s8 =	simm.s32 @!p0 $0x1BF5;
	p2 =	por !p2, p0  }
0x20: {  	[sflag:s8] =	ssyncset.s32 @!p0 $0xFFFFF086;
	s6 =	sadd.s32 @!p0 s3, s7;
	s7 =	simm.s32 @!p0 $0x108  }
0x21: {  	s3 =	sadd.s32 s3, s9;
	s6 =	sadd.s32 @!p0 $0x88, s6;
	s7 =	simm.s32 @p2 $0x1082  }
0x22: {  	[simem:s7], [sflag:s8] =	dma.local @!p0 [hbm:s6], $0xF7A  }
0x23: {  	s9 =	sor.u32 $0xD0000000, s2;
	s6 =	simm.s32 $0x108;
	_ =	swait.ge @!p0 [sflag:s8], $0x0  }
0x24: {  	s3 =	sadd.s32 $0x88, s3;
	s6 =	simm.s32 @!p1 $0x1082;
	[sflag:s4] =	ssyncset.s32 $0xFFFFF086  }
0x25: {  	[simem:s6], [sflag:s4] =	dma.local [hbm:s3], $0xF7A  }
0x26: {  	[smem:$0x3F9E] =	sst s1;
	(tag) =	ssettag s2;
	_ =	strace s9  }
0x27: {  	s1 =	sld [smem:$0x3FAE]  }
0x28: {  	s2 =	sld [smem:$0x3FAF]  }
0x29: {  	s4 =	sld [smem:$0x3FB1]  }
0x2a: {  	p0 =	seq.s32 s5, $0x0;
	s5 =	sld [smem:$0x3FB2]  }
0x2b: {  	s6 =	sld [smem:$0x3FB3]  }
0x2c: {  	s7 =	sld [smem:$0x3FB4]  }
0x2d: {  	s3 =	simm.s32 $0x108;
	s8 =	sld [smem:$0x3FB5]  }
0x2e: {  	s3 =	simm.s32 @!p0 $0x1082;
	s9 =	sld [smem:$0x3FB6]  }
0x2f: {  	lr =	sadd.s32 s0, s3;
	s0 =	sld [smem:$0x3FAD]  }
0x30: {  	s3 =	sld [smem:$0x3FB0]  }
0x31: {  	[smem:$0x3FB9] =	sst s10  }
0x32: {  	s10 =	sld [smem:$0x3FB7];
	_ =	sdelay $0x3  }
0x33: {  	p0 =	seq.s32 s10, $0x1;
	s10 =	sld [smem:$0x3FB9];
	_ =	sdelay $0x3  }
0x34: {  	[smem:$0x3FB9] =	sst s10  }
0x35: {  	s10 =	sld [smem:$0x3FB8];
	_ =	sdelay $0x3  }
0x36: {  	p1 =	seq.s32 s10, $0x1;
	s10 =	sld [smem:$0x3FB9];
	_ =	sdelay $0x3  }
0x37: {  	[smem:$0x3FB9] =	sst s10  }
0x38: {  	s10 =	sld [smem:$0x3FBA]  }
0x39: {  	_ = 	snop;
	(pc) =	sbr.ind lr, $3  }
0x3a: {  	_ = 	snop  }
0x3b: {  	_ = 	snop  }
0x3c: {  	p2 =	seq.s32 s10, $0x1;
	s10 =	sld [smem:$0x3FB9]  }
0x3d: {  	_ =	shalt  }
0x3e: {  	_ =	shalt  }
0x3f: {  	_ =	shalt  }
0x40: {  	_ =	shalt  }
0x41: {  	_ =	shalt  }
0x42: {  	_ =	shalt  }
0x43: {  	_ =	shalt  }
0x44: {  	_ =	shalt  }
0x45: {  	_ =	shalt  }
0x46: {  	_ =	shalt  }
0x47: {  	_ =	shalt  }
0x48: {  	_ =	shalt  }
0x49: {  	_ =	shalt  }
0x4a: {  	_ =	shalt  }
0x4b: {  	_ =	shalt  }
0x4c: {  	_ =	shalt  }
0x4d: {  	_ =	shalt  }
0x4e: {  	_ =	shalt  }
0x4f: {  	_ =	shalt  }
0x50: {  	_ =	shalt  }
0x51: {  	_ =	shalt  }
0x52: {  	_ =	shalt  }
0x53: {  	_ =	shalt  }
0x54: {  	_ =	shalt  }
0x55: {  	_ =	shalt  }
0x56: {  	_ =	shalt  }
0x57: {  	_ =	shalt  }
0x58: {  	_ =	shalt  }
0x59: {  	_ =	shalt  }
0x5a: {  	_ =	shalt  }
0x5b: {  	_ =	shalt  }
0x5c: {  	_ =	shalt  }
0x5d: {  	_ =	shalt  }
0x5e: {  	_ =	shalt  }
0x5f: {  	_ =	shalt  }
0x60: {  	_ =	shalt  }
0x61: {  	_ =	shalt  }
0x62: {  	_ =	shalt  }
0x63: {  	_ =	shalt  }
0x64: {  	_ =	shalt  }
0x65: {  	_ =	shalt  }
0x66: {  	_ =	shalt  }
0x67: {  	_ =	shalt  }
0x68: {  	_ =	shalt  }
0x69: {  	_ =	shalt  }
0x6a: {  	_ =	shalt  }
0x6b: {  	_ =	shalt  }
0x6c: {  	_ =	shalt  }
0x6d: {  	_ =	shalt  }
0x6e: {  	_ =	shalt  }
0x6f: {  	_ =	shalt  }
0x70: {  	_ =	shalt  }
0x71: {  	_ =	shalt  }
0x72: {  	_ =	shalt  }
0x73: {  	_ =	shalt  }
0x74: {  	_ =	shalt  }
0x75: {  	_ =	shalt  }
0x76: {  	_ =	shalt  }
0x77: {  	_ =	shalt  }
0x78: {  	_ =	shalt  }
0x79: {  	_ =	shalt  }
0x7a: {  	_ =	shalt  }
0x7b: {  	_ =	shalt  }
0x7c: {  	_ =	shalt  }
0x7d: {  	_ =	shalt  }
0x7e: {  	_ =	shalt  }
0x7f: {  	_ =	shalt  }
0x80: {  	_ =	shalt  }
0x81: {  	_ =	shalt  }
0x82: {  	_ =	shalt  }
0x83: {  	_ =	shalt  }
0x84: {  	_ =	shalt  }
0x85: {  	_ =	shalt  }
0x86: {  	_ =	shalt  }
0x87: {  	_ =	shalt  }
.Lfunc_end0:
.L_simem_size_0:
called_computation_lowered:
.L_overlay_start_0:
0x88: {  	s2 =	sld [smem:$0x3FD9]  }
0x89: {  	s3 =	sld [smem:$0x3FFE];
	_ =	sdelay $0x1  }
0x8a: {  	s1 =	srdreg.scid  }
0x8b: {  	s0 =	sand.u32 $0x1, s1  }
0x8c: {  	s17 =	sshll.u32 s0, $0xA;
	s2 =	sadd.s32 s3, s2  }
0x8d: {  	s2 =	sadd.s32 s2, s17  }
0x8e: {  	[smem:$0x3FC5] =	sst s2  }
0x8f: {  	_ = 	snop  }
0x90: {  	s2 =	sld [smem:$0x3FD0];
	(tm) =	ssettm $0x1  }
0x91: {  	s18 =	sld [smem:$0x3FFB];
	_ =	sdelay $0x3  }
0x92: {  	_ =	strace s18  }
0x93: {  	s3 =	sld [smem:$0x3FFC];
	_ =	sdelay $0x3  }
0x94: {  	_ =	strace s3  }
0x95: {  	s3 =	sld [smem:$0x3FFD];
	_ =	sdelay $0x3  }
0x96: {  	_ =	strace s3  }
0x97: {  	_ =	strace $0x8FFFFFFF  }
0x98: {  	s19 =	sld [smem:$0x3FDB];
	_ =	sdelay $0x1  }
0x99: {  	s4 =	simm.s32 $_scs_section_size  }
0x9a: {  	s5 =	simm.s32 $_size__tile_overlayer_lowered;
	s6 =	simm.s32 $_tile_overlayer_lowered  }
0x9b: {  	s22 =	simm.s32 $0x1BFF;
	s21 =	sshll.u32 s6, $0x1;
	s3 =	sadd.s32 s4, s19  }
0x9c: {  	s7 =	simm.s32 $0x0;
	s20 =	sshll.u32 s5, $0x1;
	s5 =	sadd.s32 s21, s3  }
0x9d: {  	[timem:s7], [sflag:s22] =	dma.local [hbm:s5], s20  }
0x9e: {  	_ =	swait.ge [sflag:s22], s20  }
0x9f: {  	s4 =	ssub.s32 $0x0, s20;
	[sflag:s22] =	ssyncset.done $0x0  }
0xa0: {  	[sflag:s22] =	ssyncadd.s32 s4;
	_ =	sdelay $0x1  }
0xa1: {  	s23 =	simm.s32 $0x1B8B  }
0xa2: {  	_ =	swait.ge [sflag:s23], $0x1  }
0xa3: {  	[sflag:s23] =	ssyncset.done $0x0  }
0xa4: {  	s25 =	simm.s32 $0x1B8E;
	s24 =	sld [smem:$0x3FFE];
	[sflag:s23] =	ssyncadd.s32 $0xFFFFFFFF  }
0xa5: {  	s26 =	simm.s32 $execute0_lowered;
	[smem:$0x3FD2] =	sst s25  }
0xa6: {  	s5 =	sshll.u32 s26, $0x1;
	_ =	strace $0x80000046;
	[dreg:$0x1] =	wrdreg $0xFFFFFFFF  }
0xa7: {  	s28 =	simm.s32 $_size_execute0_lowered;
	s3 =	sadd.s32 s3, s5;
	[dreg:$0x0] =	wrdreg $0x0  }
0xa8: {  	s5 =	sshll.u32 s28, $0x1;
	[dreg:$0x2] =	wrdreg s3  }
0xa9: {  	[dreg:$0x3] =	wrdreg s5  }
0xaa: {  	[dreg:$0x4] =	wrdreg $0xC0  }
0xab: {  	_ =	task [dreg:s7], $0x5FFFF  }
0xac: {  	[dreg:$0x1] =	wrdreg $0xFFFFFFFF  }
0xad: {  	[dreg:$0x0] =	wrdreg $0x60  }
0xae: {  	[dreg:$0x2] =	wrdreg s2  }
0xaf: {  	[dreg:$0x3] =	wrdreg s24  }
0xb0: {  	[dreg:$0x4] =	wrdreg $0x8C800  }
0xb1: {  	[dreg:$0x5] =	wrdreg $0x9  }
0xb2: {  	_ =	task.clear_ibuf [dreg:s7], $0x6FFFF;
	_ =	strace $0x90000046  }
0xb3: {  	s29 =	simm.s32 $0x9;
	_ =	strace $0x80000048  }
0xb4: {  	_ =	swait.ge [sflag:s29], $0x1  }
0xb5: {  	[sflag:s29] =	ssyncadd.s32 $0xFFFFFFFF  }
0xb6: {  	_ =	strace $0x90000048  }
0xb7: {  	_ =	sfence  }
0xb8: {  	s30 =	sld [smem:$0x0];
	_ =	sdelay $0x2  }
0xb9: {  	s31 =	sshll.u32 s1, $0xD;
	s1 =	sshrl.u32 s1, $0x2  }
0xba: {  	s3 =	sand.u32 $0x4000, s31;
	s1 =	sadd.s32 s1, s30  }
0xbb: {  	s0 =	sor.u32 s3, s0;
	s1 =	sshll.u32 s1, $0x11  }
0xbc: {  	s0 =	sor.u32 s1, s0  }
0xbd: {  	s0 =	sadd.s32 $0x8F2B, s0  }
0xbe: {  	[sflag:s0] =	ssyncadd.remote.s32 $0x1  }
0xbf: {  	_ =	sfence.sel $0xFFFF  }
0xc0: {  	[dreg:$0x0] =	wrdreg $0xFFFFFFFF;
	(pc) =	sbr.abs _section_cstart, $3  }
0xc1: {  	[dreg:$0x1] =	wrdreg $0xFFFFFFFF  }
0xc2: {  	_ =	task.clear_ibuf [dreg:s7], $0x2FFFF;
	_ =	strace $0x9FFFFFFF  }
0xc3: {  	(tm) =	ssettm $0x7FFFFFFF  }
tec
execute0_lowered:
.L_overlay_start_1:
0x0: {  	(tag) =	ssettag $0x1  }
0x1: {  	s4 =	rddreg [dreg:$0x0]  }
0x2: {  	s5 =	rddreg [dreg:$0x1];
	s0 =	srdreg.scid  }
0x3: {  	s2 =	rddreg [dreg:$0x2];
	s1 =	stileid.u32  }
0x4: {  	s3 =	simm.s32 $0x0;
	s11 =	simm.s32 $0x1;
	s8 =	smul.u32 $0x1C08, s1  }
0x5: {  	s12 =	simm.s32 $0x7000;
	s6 =	sand.u32 $0x1, s0;
	s31 =	smul.u32 $0x700, s1  }
0x6: {  	s13 =	simm.s32 $0x0;
	[smem:$0x7FF] =	sst s3;
	s7 =	smul.u32 $0x1C080, s6  }
0x7: {  	s0 =	rddreg [dreg:$0x3];
	s6 =	ssub.s32 $0x2, s6;
	_ =	strace $0x80000047  }
0x8: {  	s10 =	sshrl.u32 s6, $0x1;
	s4 =	sadd.s32 s4, s31;
	s7 =	sadd.s32 s8, s7  }
0x9: {  	s10 =	ssub.s32 s6, s10;
	s9 =	sshrl.u32 s7, $0x3;
	s6 =	sadd.s32 s7, s2  }
0xa: {  	s8 =	smax.u32 s10, $0x1;
	s10 =	simm.s32 $0x80;
	s9 =	sadd.s32 s9, s5  }
0xb: {  	v0 =	vlaneseq.u32;
	s5 =	smul.u32 $0x3800, s1;
	s7 =	sadd.s32 $0x800, s9;
	s9 =	simm.s32 $0x2  }
.LBB2_1:
0xc: {  	[tilespmem:s3], [sflag:$0x2] =	stream.linear.gather [hbm4b:s4+s3], $0x3800, $0x38;
	[tilespmem:$0xC490] =	vst v63  }
0xd: {  	_ =	swait.ge [sflag:s9], $0x3800;
	s15 =	sadd.s32 $0x0, s5  }
0xe: {  	[sflag:s9] =	ssyncset.done $0x0;
	s16 =	sadd.s32 $0x70, s15  }
0xf: {  	s14 =	simm.s32 $0x3840;
	s17 =	sadd.s32 $0x10, s15;
	[sflag:s9] =	ssyncadd.s32 $0xFFFFC800;
	v1 =	vor.u32 s16, v0  }
0x10: {  	s30 =	sadd.s32 $0x50, s15;
	v2 =	vor.u32 s17, v0;
	[tilespmem:s14+$0x30] =	vst v1  }
0x11: {  	s26 =	sadd.s32 $0x20, s15;
	v3 =	vor.u32 s30, v0;
	[tilespmem:s14+$0xFFFFFFD0] =	vst v2  }
0x12: {  	s28 =	sadd.s32 $0x30, s15;
	v1 =	vor.u32 s26, v0;
	[tilespmem:s14+$0x10] =	vst v3  }
0x13: {  	s29 =	sadd.s32 $0x40, s15;
	v2 =	vor.u32 s28, v0;
	[tilespmem:s14+$0xFFFFFFE0] =	vst v1  }
0x14: {  	s31 =	sadd.s32 $0x60, s15;
	v1 =	vor.u32 s29, v0;
	[tilespmem:s14+$0xFFFFFFF0] =	vst v2  }
0x15: {  	s16 =	simm.s32 $0x100;
	v2 =	vor.u32 s31, v0;
	[tilespmem:s14+$0x0] =	vst v1;
	v1 =	vor.u32 s15, v0;
	s15 =	sadd.s32 $0x80, s5  }
.LBB2_2:
0x16: {  	p0 =	sne.s32 s16, $0x3780;
	v3 =	vor.u32 s15, v0;
	s17 =	sadd.s32 $0x10, s15;
	s18 =	sadd.s32 $0x70, s15;
	[tilespmem:s14+$0x20] =	vst v2  }
0x17: {  	s19 =	sadd.s32 $0x30, s15;
	v2 =	vor.u32 s17, v0;
	s17 =	sadd.s32 $0x20, s15;
	v4 =	vor.u32 s18, v0;
	[tilespmem:s14+$0xFFFFFFC0] =	vst v1;
	s14 =	sadd.s32 $0x80, s14;
	v1 =	vmov v3  }
0x18: {  	v5 =	vor.u32 s19, v0;
	s18 =	sadd.s32 $0x50, s15;
	v3 =	vor.u32 s17, v0;
	s17 =	sadd.s32 $0x40, s15;
	s15 =	sadd.s32 $0x60, s15;
	[tilespmem:s14+$0x30] =	vst v4  }
.Ltmp0:
0x19: {  	v6 =	vor.u32 s18, v0;
	[tilespmem:s14+$0xFFFFFFD0] =	vst v2;
	v4 =	vor.u32 s17, v0;
	v2 =	vor.u32 s15, v0;
	(pc) =	sbr.rel @p0 .LBB2_2-.Ltmp0, $4  }
0x1a: {  	[tilespmem:s14+$0xFFFFFFE0] =	vst v3  }
0x1b: {  	[tilespmem:s14+$0xFFFFFFF0] =	vst v5  }
0x1c: {  	[tilespmem:s14+$0x0] =	vst v4  }
0x1d: {  	s15 =	sadd.s32 s16, s5;
	s16 =	sadd.s32 $0x80, s16;
	[tilespmem:s14+$0x10] =	vst v6  }
0x1e: {  	s16 =	sadd.s32 $0x70, s15;
	[tilespmem:s14+$0x20] =	vst v2  }
0x1f: {  	s17 =	sadd.s32 $0x10, s15;
	[tilespmem:s14+$0xFFFFFFC0] =	vst v1;
	s25 =	sadd.s32 $0x80, s14;
	v2 =	vor.u32 s16, v0  }
0x20: {  	s26 =	sadd.s32 $0x20, s15;
	v1 =	vor.u32 s17, v0;
	[tilespmem:s25+$0x30] =	vst v2  }
0x21: {  	s28 =	sadd.s32 $0x30, s15;
	v2 =	vor.u32 s26, v0;
	[tilespmem:s25+$0xFFFFFFD0] =	vst v1  }
0x22: {  	s29 =	sadd.s32 $0x40, s15;
	v1 =	vor.u32 s28, v0;
	[tilespmem:s25+$0xFFFFFFE0] =	vst v2  }
0x23: {  	s30 =	sadd.s32 $0x50, s15;
	v2 =	vor.u32 s29, v0;
	[tilespmem:s25+$0xFFFFFFF0] =	vst v1  }
0x24: {  	s31 =	sadd.s32 $0x60, s15;
	v1 =	vor.u32 s30, v0;
	[tilespmem:s25+$0x0] =	vst v2  }
0x25: {  	v2 =	vor.u32 s31, v0;
	[tilespmem:s25+$0x10] =	vst v1  }
0x26: {  	v1 =	vor.u32 s15, v0;
	[tilespmem:s25+$0x20] =	vst v2  }
0x27: {  	s14 =	simm.s32 $0x0;
	[tilespmem:s25+$0xFFFFFFC0] =	vst v1  }
.LBB2_4:
0x28: {  	p0 =	sne.s32 s14, $0xDE00  }
.Ltmp1:
0x29: {  	_ = 	snop;
	(pc) =	sbr.rel @p0 .LBB2_4-.Ltmp1, $4  }
0x2a: {  	_ = 	snop  }
0x2b: {  	s15 =	sshra.s32 s14, $0x2  }
0x2c: {  	s14 =	sadd.s32 $0x200, s14;
	s16 =	sadd.s32 $0x3800, s15  }
0x2d: {  	[spmem:s2] =	stream.indirect.scatter [tilespmem:s16], [sflag:$0x1], $0x1, s15, s10, $0xb8;
	[tilespmem:$0xC490] =	vst v63  }
0x2e: {  	_ =	swait.ge [sflag:s11], $0x80  }
0x2f: {  	s14 =	simm.s32 $0x6F;
	[sflag:s11] =	ssyncset.done $0x0  }
.LBB2_6:
0x30: {  	p0 =	sne.s32 s14, $0x1;
	s14 =	sadd.s32 $0xFFFFFFFF, s14;
	[sflag:s11] =	ssyncadd.s32 $0xFFFFFF80  }
.Ltmp2:
0x31: {  	(pc) =	sbr.rel @p0 .LBB2_6-.Ltmp2, $3  }
0x32: {  	_ =	sdelay $0x1  }
0x33: {  	_ =	swait.ge [sflag:s11], $0x80  }
0x34: {  	[sflag:s11] =	ssyncset.done $0x0  }
0x35: {  	[sflag:s11] =	ssyncadd.s32 $0xFFFFFF80  }
0x36: {  	[bflag:$0x0] =	sbarrier.arrive $0xFFFF  }
0x37: {  	[tilespmem:s12], [sflag:$0x2] =	stream.linear.gather [spmem:s6], $0x1C08, $0x38;
	[tilespmem:$0xC490] =	vst v63  }
0x38: {  	s13 =	sadd.s32 $0x1, s13;
	_ =	swait.ge [sflag:s9], $0x1C08  }
0x39: {  	p0 =	sne.s32 s13, s8;
	[sflag:s9] =	ssyncset.done $0x0  }
.Ltmp3:
0x3a: {  	[sflag:s9] =	ssyncadd.s32 $0xFFFFE3F8;
	(pc) =	sbr.rel @p0 .LBB2_1-.Ltmp3, $4  }
0x3b: {  	[hbm4b:s7+s3] =	stream.linear.scatter [tilespmem:s12], [sflag:$0x2], $0x1C08, $0x38;
	[tilespmem:$0xC490] =	vst v63  }
0x3c: {  	_ =	swait.ge [sflag:s9], $0x1C08  }
0x3d: {  	[sflag:s9] =	ssyncset.done $0x0  }
0x3e: {  	[sflag:s9] =	ssyncadd.s32 $0xFFFFE3F8  }
0x3f: {  	_ =	sfence.sel $0x180000  }
0x40: {  	[bflag:$0x0] =	sbarrier.arrive $0xFFFF  }
0x41: {  	p0 =	sne.s32 s1, $0x0;
	_ =	strace $0x90000047  }
0x42: {  	s0 =	sadd.s32 @!p0 $0x100000, s0;
	[bflag:$0x2] =	sbarrier.arrive $0xFFFF  }
0x43: {  	[sflag:s0] =	ssyncadd.tile.s32 @!p0 $0x1;
	_ =	shalt  }
.Lfunc_end2:
_tile_overlayer_lowered:
.L_overlay_start_2:
0x44: {  	(tag) =	ssettag $0x2  }
0x45: {  	s0 =	rddreg [dreg:$0x0];
	s2 =	stileid.u32  }
0x46: {  	s1 =	rddreg [dreg:$0x1];
	p0 =	sne.s32 s2, $0x0  }
0x47: {  	s3 =	rddreg [dreg:$0x2];
	[bflag:$0x3] =	sbarrier.arrive $0xFFFF;
	s2 =	simm.s32 @!p0 $0x1C02  }
0x48: {  	[timem:s3], [sflag:s2] =	dma.local @!p0 [hbm:s0], s1  }
0x49: {  	s0 =	simm.s32 @!p0 $0x2  }
0x4a: {  	_ =	swait.ge @!p0 [sflag:s0], s1  }
0x4b: {  	s1 =	ssub.s32 @!p0 $0x0, s1;
	[sflag:s0] =	ssyncset.done @!p0 $0x0  }
0x4c: {  	[sflag:s0] =	ssyncadd.s32 @!p0 s1  }
0x4d: {  	[bflag:$0x3] =	sbarrier.arrive $0xFFFF  }
0x4e: {  	_ =	shalt  }

// kernel: kernel.8.cloned.1.call-start
scs
__scs_entry_jumppad:
0x0: {  	(pc) =	sbr.rel $0x88, $3  }
0x1: {  	(tag) =	ssettag $0x0;
	lr =	simm.s32 $0x1  }
0x2: {  	[smem:$0x3F9E] =	sst lr;
	_ =	strace $0xD0000000  }
0x3: {  	_ = 	snop  }
0x4: {  	_ = 	snop  }
0x5: {  	_ = 	snop  }
0x6: {  	_ = 	snop  }
0x7: {  	_ = 	snop  }
__scs_overlays_trampoline_lowered:
0x8: {  	[smem:$0x3FAD] =	sst s0  }
0x9: {  	[smem:$0x3FAE] =	sst s1  }
0xa: {  	[smem:$0x3FAF] =	sst s2  }
0xb: {  	[smem:$0x3FB0] =	sst s3  }
0xc: {  	[smem:$0x3FB1] =	sst s4  }
0xd: {  	[smem:$0x3FB2] =	sst s5  }
0xe: {  	[smem:$0x3FB3] =	sst s6  }
0xf: {  	[smem:$0x3FB4] =	sst s7  }
0x10: {  	[smem:$0x3FB5] =	sst s8  }
0x11: {  	[smem:$0x3FB6] =	sst s9;
	s0 =	simm.s32 @!p0 $0x0  }
0x12: {  	s1 =	sld [smem:$0x3F9C];
	s0 =	simm.s32 @p0 $0x1  }
0x13: {  	[smem:$0x3FB7] =	sst s0;
	s0 =	simm.s32 @!p1 $0x0  }
0x14: {  	s2 =	sld [smem:$0x3F9B];
	s0 =	simm.s32 @p1 $0x1  }
0x15: {  	[smem:$0x3FB8] =	sst s0;
	s0 =	simm.s32 @!p2 $0x0  }
0x16: {  	s3 =	sld [smem:$0x3FDB];
	s0 =	simm.s32 @p2 $0x1  }
0x17: {  	s4 =	simm.s32 $0x1BF5;
	[smem:$0x3FBA] =	sst s0  }
0x18: {  	s0 =	sld [smem:$0x3F9D];
	_ =	swait.ge [sflag:s4], $0x0  }
0x19: {  	s7 =	sld [smem:$0x3F9E]  }
0x1a: {  	s8 =	sadd.s32 $0xFFFFE003, lr  }
0x1b: {  	s9 =	sadd.s32 $0xFFFFFEF7, lr;
	s5 =	simm.s32 $0xFFFFFFFF;
	p2 =	slt.u32 s8, $0xFFFFF086  }
0x1c: {  	p1 =	slt.u32 s9, $0xF7A;
	s5 =	simm.s32 @!p2 $0x0  }
0x1d: {  	s5 =	simm.s32 @p1 $0x1;
	p0 =	seq.s32 s7, s2  }
0x1e: {  	s7 =	smul.u32 @!p0 $0xF7A, s2;
	p2 =	seq.s32 @!p0 s5, $0x0  }
0x1f: {  	s9 =	smul.u32 $0xF7A, s1;
	s8 =	simm.s32 @!p0 $0x1BF5;
	p2 =	por !p2, p0  }
0x20: {  	[sflag:s8] =	ssyncset.s32 @!p0 $0xFFFFF086;
	s6 =	sadd.s32 @!p0 s3, s7;
	s7 =	simm.s32 @!p0 $0x108  }
0x21: {  	s3 =	sadd.s32 s3, s9;
	s6 =	sadd.s32 @!p0 $0x88, s6;
	s7 =	simm.s32 @p2 $0x1082  }
0x22: {  	[simem:s7], [sflag:s8] =	dma.local @!p0 [hbm:s6], $0xF7A  }
0x23: {  	s9 =	sor.u32 $0xD0000000, s2;
	s6 =	simm.s32 $0x108;
	_ =	swait.ge @!p0 [sflag:s8], $0x0  }
0x24: {  	s3 =	sadd.s32 $0x88, s3;
	s6 =	simm.s32 @!p1 $0x1082;
	[sflag:s4] =	ssyncset.s32 $0xFFFFF086  }
0x25: {  	[simem:s6], [sflag:s4] =	dma.local [hbm:s3], $0xF7A  }
0x26: {  	[smem:$0x3F9E] =	sst s1;
	(tag) =	ssettag s2;
	_ =	strace s9  }
0x27: {  	s1 =	sld [smem:$0x3FAE]  }
0x28: {  	s2 =	sld [smem:$0x3FAF]  }
0x29: {  	s4 =	sld [smem:$0x3FB1]  }
0x2a: {  	p0 =	seq.s32 s5, $0x0;
	s5 =	sld [smem:$0x3FB2]  }
0x2b: {  	s6 =	sld [smem:$0x3FB3]  }
0x2c: {  	s7 =	sld [smem:$0x3FB4]  }
0x2d: {  	s3 =	simm.s32 $0x108;
	s8 =	sld [smem:$0x3FB5]  }
0x2e: {  	s3 =	simm.s32 @!p0 $0x1082;
	s9 =	sld [smem:$0x3FB6]  }
0x2f: {  	lr =	sadd.s32 s0, s3;
	s0 =	sld [smem:$0x3FAD]  }
0x30: {  	s3 =	sld [smem:$0x3FB0]  }
0x31: {  	[smem:$0x3FB9] =	sst s10  }
0x32: {  	s10 =	sld [smem:$0x3FB7];
	_ =	sdelay $0x3  }
0x33: {  	p0 =	seq.s32 s10, $0x1;
	s10 =	sld [smem:$0x3FB9];
	_ =	sdelay $0x3  }
0x34: {  	[smem:$0x3FB9] =	sst s10  }
0x35: {  	s10 =	sld [smem:$0x3FB8];
	_ =	sdelay $0x3  }
0x36: {  	p1 =	seq.s32 s10, $0x1;
	s10 =	sld [smem:$0x3FB9];
	_ =	sdelay $0x3  }
0x37: {  	[smem:$0x3FB9] =	sst s10  }
0x38: {  	s10 =	sld [smem:$0x3FBA]  }
0x39: {  	_ = 	snop;
	(pc) =	sbr.ind lr, $3  }
0x3a: {  	_ = 	snop  }
0x3b: {  	_ = 	snop  }
0x3c: {  	p2 =	seq.s32 s10, $0x1;
	s10 =	sld [smem:$0x3FB9]  }
0x3d: {  	_ =	shalt  }
0x3e: {  	_ =	shalt  }
0x3f: {  	_ =	shalt  }
0x40: {  	_ =	shalt  }
0x41: {  	_ =	shalt  }
0x42: {  	_ =	shalt  }
0x43: {  	_ =	shalt  }
0x44: {  	_ =	shalt  }
0x45: {  	_ =	shalt  }
0x46: {  	_ =	shalt  }
0x47: {  	_ =	shalt  }
0x48: {  	_ =	shalt  }
0x49: {  	_ =	shalt  }
0x4a: {  	_ =	shalt  }
0x4b: {  	_ =	shalt  }
0x4c: {  	_ =	shalt  }
0x4d: {  	_ =	shalt  }
0x4e: {  	_ =	shalt  }
0x4f: {  	_ =	shalt  }
0x50: {  	_ =	shalt  }
0x51: {  	_ =	shalt  }
0x52: {  	_ =	shalt  }
0x53: {  	_ =	shalt  }
0x54: {  	_ =	shalt  }
0x55: {  	_ =	shalt  }
0x56: {  	_ =	shalt  }
0x57: {  	_ =	shalt  }
0x58: {  	_ =	shalt  }
0x59: {  	_ =	shalt  }
0x5a: {  	_ =	shalt  }
0x5b: {  	_ =	shalt  }
0x5c: {  	_ =	shalt  }
0x5d: {  	_ =	shalt  }
0x5e: {  	_ =	shalt  }
0x5f: {  	_ =	shalt  }
0x60: {  	_ =	shalt  }
0x61: {  	_ =	shalt  }
0x62: {  	_ =	shalt  }
0x63: {  	_ =	shalt  }
0x64: {  	_ =	shalt  }
0x65: {  	_ =	shalt  }
0x66: {  	_ =	shalt  }
0x67: {  	_ =	shalt  }
0x68: {  	_ =	shalt  }
0x69: {  	_ =	shalt  }
0x6a: {  	_ =	shalt  }
0x6b: {  	_ =	shalt  }
0x6c: {  	_ =	shalt  }
0x6d: {  	_ =	shalt  }
0x6e: {  	_ =	shalt  }
0x6f: {  	_ =	shalt  }
0x70: {  	_ =	shalt  }
0x71: {  	_ =	shalt  }
0x72: {  	_ =	shalt  }
0x73: {  	_ =	shalt  }
0x74: {  	_ =	shalt  }
0x75: {  	_ =	shalt  }
0x76: {  	_ =	shalt  }
0x77: {  	_ =	shalt  }
0x78: {  	_ =	shalt  }
0x79: {  	_ =	shalt  }
0x7a: {  	_ =	shalt  }
0x7b: {  	_ =	shalt  }
0x7c: {  	_ =	shalt  }
0x7d: {  	_ =	shalt  }
0x7e: {  	_ =	shalt  }
0x7f: {  	_ =	shalt  }
0x80: {  	_ =	shalt  }
0x81: {  	_ =	shalt  }
0x82: {  	_ =	shalt  }
0x83: {  	_ =	shalt  }
0x84: {  	_ =	shalt  }
0x85: {  	_ =	shalt  }
0x86: {  	_ =	shalt  }
0x87: {  	_ =	shalt  }
.Lfunc_end0:
.L_simem_size_0:
called_computation.1_lowered:
.L_overlay_start_0:
0x88: {  	s2 =	sld [smem:$0x3FD9]  }
0x89: {  	s3 =	sld [smem:$0x3FFE];
	_ =	sdelay $0x1  }
0x8a: {  	s1 =	srdreg.scid  }
0x8b: {  	s0 =	sand.u32 $0x1, s1  }
0x8c: {  	s17 =	sshll.u32 s0, $0xA;
	s2 =	sadd.s32 s3, s2  }
0x8d: {  	s2 =	sadd.s32 s2, s17  }
0x8e: {  	[smem:$0x3FC5] =	sst s2  }
0x8f: {  	_ = 	snop  }
0x90: {  	s2 =	sld [smem:$0x3FC9]  }
0x91: {  	s18 =	sld [smem:$0x3FC8]  }
0x92: {  	s4 =	sld [smem:$0x3FD0];
	(tm) =	ssettm $0x1  }
0x93: {  	s5 =	sld [smem:$0x3FFB];
	_ =	sdelay $0x3  }
0x94: {  	_ =	strace s5  }
0x95: {  	s5 =	sld [smem:$0x3FFC];
	_ =	sdelay $0x3  }
0x96: {  	_ =	strace s5  }
0x97: {  	s5 =	sld [smem:$0x3FFD];
	_ =	sdelay $0x3  }
0x98: {  	_ =	strace s5  }
0x99: {  	_ =	strace $0x8FFFFFFF  }
0x9a: {  	s19 =	sld [smem:$0x3FDB];
	_ =	sdelay $0x1  }
0x9b: {  	s6 =	simm.s32 $_scs_section_size  }
0x9c: {  	s7 =	simm.s32 $_size__tile_overlayer_lowered;
	s8 =	simm.s32 $_tile_overlayer_lowered  }
0x9d: {  	s22 =	simm.s32 $0x1BFF;
	s21 =	sshll.u32 s8, $0x1;
	s5 =	sadd.s32 s6, s19  }
0x9e: {  	s9 =	simm.s32 $0x0;
	s20 =	sshll.u32 s7, $0x1;
	s7 =	sadd.s32 s21, s5  }
0x9f: {  	[timem:s9], [sflag:s22] =	dma.local [hbm:s7], s20  }
0xa0: {  	_ =	swait.ge [sflag:s22], s20  }
0xa1: {  	s6 =	ssub.s32 $0x0, s20;
	[sflag:s22] =	ssyncset.done $0x0  }
0xa2: {  	[sflag:s22] =	ssyncadd.s32 s6;
	_ =	sdelay $0x1  }
0xa3: {  	s23 =	simm.s32 $0x1B8B  }
0xa4: {  	_ =	swait.ge [sflag:s23], $0x1  }
0xa5: {  	[sflag:s23] =	ssyncset.done $0x0  }
0xa6: {  	s25 =	simm.s32 $0x1B8E;
	s24 =	sld [smem:$0x3FFE];
	[sflag:s23] =	ssyncadd.s32 $0xFFFFFFFF  }
0xa7: {  	s26 =	simm.s32 $execute0_lowered;
	[smem:$0x3FD2] =	sst s25  }
0xa8: {  	s7 =	sshll.u32 s26, $0x1;
	_ =	strace $0x80000049;
	[dreg:$0x1] =	wrdreg $0xFFFFFFFF  }
0xa9: {  	s28 =	simm.s32 $_size_execute0_lowered;
	s5 =	sadd.s32 s5, s7;
	[dreg:$0x0] =	wrdreg $0x0  }
0xaa: {  	s7 =	sshll.u32 s28, $0x1;
	[dreg:$0x2] =	wrdreg s5  }
0xab: {  	[dreg:$0x3] =	wrdreg s7  }
0xac: {  	[dreg:$0x4] =	wrdreg $0xC0  }
0xad: {  	_ =	task [dreg:s9], $0x5FFFF  }
0xae: {  	[dreg:$0x1] =	wrdreg $0xFFFFFFFF  }
0xaf: {  	[dreg:$0x0] =	wrdreg $0x60  }
0xb0: {  	[dreg:$0x2] =	wrdreg s2  }
0xb1: {  	[dreg:$0x3] =	wrdreg s18  }
0xb2: {  	[dreg:$0x4] =	wrdreg s24  }
0xb3: {  	[dreg:$0x5] =	wrdreg s4  }
0xb4: {  	[dreg:$0x6] =	wrdreg $0x9  }
0xb5: {  	_ =	task.clear_ibuf [dreg:s9], $0x7FFFF;
	_ =	strace $0x90000049  }
0xb6: {  	s29 =	simm.s32 $0x9;
	_ =	strace $0x8000004B  }
0xb7: {  	_ =	swait.ge [sflag:s29], $0x1  }
0xb8: {  	[sflag:s29] =	ssyncadd.s32 $0xFFFFFFFF  }
0xb9: {  	_ =	strace $0x9000004B  }
0xba: {  	_ =	sfence  }
0xbb: {  	s30 =	sld [smem:$0x0];
	_ =	sdelay $0x2  }
0xbc: {  	s31 =	sshll.u32 s1, $0xD;
	s1 =	sshrl.u32 s1, $0x2  }
0xbd: {  	s3 =	sand.u32 $0x4000, s31;
	s1 =	sadd.s32 s1, s30  }
0xbe: {  	s0 =	sor.u32 s3, s0;
	s1 =	sshll.u32 s1, $0x11  }
0xbf: {  	s0 =	sor.u32 s1, s0  }
0xc0: {  	s0 =	sadd.s32 $0x8F2B, s0  }
0xc1: {  	[sflag:s0] =	ssyncadd.remote.s32 $0x1  }
0xc2: {  	_ =	sfence.sel $0xFFFF  }
0xc3: {  	[dreg:$0x0] =	wrdreg $0xFFFFFFFF;
	(pc) =	sbr.abs _section_cstart, $3  }
0xc4: {  	[dreg:$0x1] =	wrdreg $0xFFFFFFFF  }
0xc5: {  	_ =	task.clear_ibuf [dreg:s9], $0x2FFFF;
	_ =	strace $0x9FFFFFFF  }
0xc6: {  	(tm) =	ssettm $0x7FFFFFFF  }
0xc7: {  	_ =	shalt  }
tec
execute0_lowered:
.L_overlay_start_1:
0x0: {  	(tag) =	ssettag $0x1  }
0x1: {  	s1 =	rddreg [dreg:$0x0]  }
0x2: {  	s2 =	rddreg [dreg:$0x1]  }
0x3: {  	s0 =	rddreg [dreg:$0x2]  }
0x4: {  	s3 =	rddreg [dreg:$0x3];
	s5 =	simm.s32 $0x0  }
0x5: {  	s4 =	srdreg.scid;
	s10 =	stileid.u32;
	s8 =	simm.s32 $0x19  }
0x6: {  	s14 =	simm.s32 $0x10180;
	s15 =	simm.s32 $0x3;
	s12 =	simm.s32 $0x8180  }
0x7: {  	s28 =	simm.s32 $0x1;
	s31 =	simm.s32 $0x1980;
	s13 =	simm.s32 $0x4980  }
0x8: {  	s16 =	simm.s32 $0x5180;
	s17 =	simm.s32 $0x5980;
	s18 =	simm.s32 $0x6180  }
0x9: {  	s19 =	simm.s32 $0x6980;
	s20 =	simm.s32 $0x7180;
	s21 =	simm.s32 $0x7980  }
0xa: {  	s23 =	simm.s32 $0x0;
	[smem:$0x7FF] =	sst s5;
	s4 =	sand.u32 $0x1, s4  }
0xb: {  	s7 =	sshll.u32 s10, $0x1;
	s6 =	sadd.s32 $0x800, s0;
	s29 =	sadd.s32 $0x69B0, s0  }
0xc: {  	s0 =	sadd.s32 $0x38D0, s0;
	s30 =	sshll.u32 s10, $0x8;
	s10 =	simm.s32 $0x2  }
0xd: {  	_ =	strace $0x8000004A;
	s9 =	ssub.s32 $0x2, s4;
	[dreg:$0x6] =	wrdreg s29  }
0xe: {  	s11 =	sor.u32 s4, s7;
	[dreg:$0x7] =	wrdreg s0;
	s4 =	sshll.u32 s4, $0x7  }
0xf: {  	s26 =	sshrl.u32 s9, $0x1;
	p0 =	slt.u32 s11, $0xD;
	s0 =	sor.u32 s4, s30  }
.Ltmp0:
0x10: {  	[dreg:$0x5] =	wrdreg s11;
	p1 =	sne.s32 s11, $0x1;
	(pc) =	sbr.rel .LBB2_1-.Ltmp0, $4  }
0x11: {  	s4 =	simm.s32 $0x3980;
	s7 =	ssub.s32 s9, s26;
	s8 =	simm.s32 @!p0 $0x18  }
0x12: {  	v2 =	vlaneseq.u32;
	[dreg:$0x9] =	wrdreg s0;
	p0 =	seq.s32 s11, $0x0;
	s26 =	simm.s32 $0x180  }
0x13: {  	vm0 =	vmmov $0xffff;
	v1 =	vshrl.u32 v2, $0x3;
	s11 =	simm.s32 $0x2180;
	s0 =	simm.s32 $0x3180;
	s7 =	smax.u32 s7, $0x1  }
0x14: {  	v0 =	vand.u32 $0x7, v2;
	v2 =	vor.u32 $0x8, v2;
	v1 =	vmul.u32 $0x8, v1;
	s9 =	simm.s32 $0x4180;
	[dreg:$0x8] =	wrdreg s7;
	s7 =	simm.s32 $0x2980  }
.LBB2_16:
0x15: {  	s22 =	simm.s32 $0x18200  }
0x16: {  	s23 =	simm.s32 $0x18180;
	s25 =	rddreg [dreg:$0x7];
	s24 =	smov.u32 s1  }
.LBB2_19:
0x17: {  	[tilespmem:s23], [sflag:$0x8] =	stream.linear.gather [hbm4b:s25+s5], $0x20, $0x38;
	[tilespmem:$0x1C280] =	vst v63  }
0x18: {  	s29 =	simm.s32 $0x8  }
0x19: {  	_ =	swait.ge [sflag:s29], $0x20  }
0x1a: {  	[sflag:s29] =	ssyncset.done $0x0  }
0x1b: {  	s24 =	sadd.s32 $0x30D000, s24;
	[sflag:s29] =	ssyncadd.s32 $0xFFFFFFE0  }
0x1c: {  	[tilespmem:s22], [sflag:$0x8] =	stream.linear.gather [hbm4b:s24+s5], $0x2000, $0x38;
	[tilespmem:$0x1C280] =	vst v63  }
0x1d: {  	_ =	swait.ge [sflag:s29], $0x2000  }
0x1e: {  	[sflag:s29] =	ssyncset.done $0x0  }
0x1f: {  	[sflag:s29] =	ssyncadd.s32 $0xFFFFE000  }
0x20: {  	v3 =	vld [tilespmem:s23+$0x0];
	_ =	sdelay $0x4  }
0x21: {  	v4 =	vshll.u32 v3, $0x1  }
0x22: {  	v3 =	vand.u32 $0x7, v3;
	v4 =	vand.u32 $0xFFFFFFF0, v4  }
0x23: {  	v3 =	vor.u32 v3, v4  }
0x24: {  	v4 =	vperm.xlane v3, v0;
	_ =	sdelay $0x1  }
0x25: {  	v3 =	vperm.xlane v3, v2;
	v4 =	vadd.s32 v1, v4;
	_ =	sdelay $0x1  }
0x26: {  	v3 =	vadd.s32 v1, v3;
	_ =	sdelay $0x2  }
0x27: {  	[hbm4b:s3+s5] =	stream.indirect_vreg.scatter [tilespmem:s22], [sflag:$0x7], $0x80, v4, vm0, $0xb8;
	[tilespmem:$0x1C280] =	vst v63  }
0x28: {  	s30 =	sadd.s32 $0x800, s22  }
0x29: {  	[hbm4b:s3+s5] =	stream.indirect_vreg.scatter [tilespmem:s30], [sflag:$0x7], $0x80, v3, vm0, $0xb8;
	[tilespmem:$0x1C280] =	vst v63  }
0x2a: {  	v3 =	vld [tilespmem:s23+$0x10];
	_ =	sdelay $0x4  }
0x2b: {  	v63 =	vshll.u32 v3, $0x1  }
0x2c: {  	v3 =	vand.u32 $0x7, v3;
	v4 =	vand.u32 $0xFFFFFFF0, v63  }
0x2d: {  	v3 =	vor.u32 v3, v4  }
0x2e: {  	v4 =	vperm.xlane v3, v0;
	_ =	sdelay $0x1  }
0x2f: {  	v3 =	vperm.xlane v3, v2;
	v4 =	vadd.s32 v1, v4;
	_ =	sdelay $0x1  }
0x30: {  	v3 =	vadd.s32 v1, v3;
	_ =	sdelay $0x1  }
0x31: {  	s25 =	sadd.s32 $0x1000, s22  }
0x32: {  	[hbm4b:s3+s5] =	stream.indirect_vreg.scatter [tilespmem:s25], [sflag:$0x7], $0x80, v4, vm0, $0xb8;
	[tilespmem:$0x1C280] =	vst v63  }
0x33: {  	s29 =	sadd.s32 $0x1800, s22;
	s30 =	simm.s32 $0x7  }
0x34: {  	[hbm4b:s3+s5] =	stream.indirect_vreg.scatter [tilespmem:s29], [sflag:$0x7], $0x80, v3, vm0, $0xb8;
	[tilespmem:$0x1C280] =	vst v63  }
0x35: {  	_ =	swait.ge [sflag:s30], $0x2000  }
0x36: {  	[sflag:s30] =	ssyncset.done $0x0  }
0x37: {  	s23 =	rddreg [dreg:$0xa];
	[sflag:s30] =	ssyncadd.s32 $0xFFFFE000  }
.LBB2_20:
0x38: {  	s23 =	sadd.s32 $0x1, s23;
	s22 =	rddreg [dreg:$0x8]  }
0x39: {  	p2 =	sne.s32 s23, s22  }
.Ltmp1:
0x3a: {  	_ = 	snop;
	(pc) =	sbr.rel @!p2 .LBB2_21-.Ltmp1, $1  }
0x3b: {  	_ =	sdelay $0x3  }
.LBB2_1:
.Ltmp2:
0x3c: {  	(pc) =	sbr.rel .LBB2_2-.Ltmp2, $4  }
0x3d: {  	_ = 	snop  }
0x3e: {  	[dreg:$0xa] =	wrdreg s23  }
0x3f: {  	s22 =	rddreg [dreg:$0x5]  }
0x40: {  	s30 =	rddreg [dreg:$0x9];
	s24 =	simm.s32 $0x0  }
.LBB2_6:
0x41: {  	p2 =	slt.u32 s24, $0x3;
	p3 =	sgt.u32 s22, $0x30C  }
0x42: {  	s25 =	sadd.s32 $0xFFFE7980, s30;
	s29 =	smov.u32 s30;
	s23 =	simm.s32 @!p2 $0x6  }
0x43: {  	s29 =	smov.u32 @p3 s25;
	_ =	swait.ge @!p2 [sflag:s23], $0x8000  }
0x44: {  	s25 =	sshrl.u32 s29, $0x3;
	[sflag:s23] =	ssyncset.done @!p2 $0x0  }
0x45: {  	[sflag:s23] =	ssyncadd.s32 @!p2 $0xFFFF8000;
	s23 =	sadd.s32 s6, s25;
	s25 =	simm.s32 $0x100  }
0x46: {  	[tilespmem:s25], [sflag:$0x3] =	stream.linear.gather [hbm4b:s23+s5], $0x80, $0x38;
	[tilespmem:$0x1C280] =	vst v63  }
0x47: {  	s25 =	sshll.u32 s29, $0x5  }
0x48: {  	s23 =	sadd.s32 s1, s25  }
0x49: {  	[tilespmem:s14], [sflag:$0x3] =	stream.linear.gather [hbm4b:s23+s5], $0x8000, $0x38;
	[tilespmem:$0x1C280] =	vst v63  }
0x4a: {  	_ =	swait.ge [sflag:s15], $0x80  }
0x4b: {  	[sflag:s15] =	ssyncset.done $0x0  }
0x4c: {  	[sflag:s15] =	ssyncadd.s32 $0xFFFFFF80  }
0x4d: {  	_ =	swait.ge [sflag:s15], $0x8000  }
0x4e: {  	[sflag:s15] =	ssyncset.done $0x0  }
0x4f: {  	[sflag:s15] =	ssyncadd.s32 $0xFFFF8000  }
0x50: {  	v3 =	vld [tilespmem:$0x100];
	_ =	sdelay $0x4  }
0x51: {  	v4 =	vshll.u32 v3, $0x1  }
0x52: {  	v3 =	vand.u32 $0x7, v3;
	v4 =	vand.u32 $0xFFFFFFF0, v4  }
0x53: {  	v3 =	vor.u32 v3, v4  }
0x54: {  	v4 =	vperm.xlane v3, v0;
	_ =	sdelay $0x1  }
0x55: {  	v3 =	vperm.xlane v3, v2;
	v4 =	vadd.s32 v1, v4;
	_ =	sdelay $0x1  }
0x56: {  	v3 =	vadd.s32 v1, v3;
	_ =	sdelay $0x2  }
0x57: {  	[hbm4b:s3+s5] =	stream.indirect_vreg.scatter [tilespmem:s14], [sflag:$0x6], $0x80, v4, vm0, $0xb8;
	[tilespmem:$0x1C280] =	vst v63  }
0x58: {  	s29 =	simm.s32 $0x10980  }
0x59: {  	[hbm4b:s3+s5] =	stream.indirect_vreg.scatter [tilespmem:s29], [sflag:$0x6], $0x80, v3, vm0, $0xb8;
	[tilespmem:$0x1C280] =	vst v63  }
0x5a: {  	v3 =	vld [tilespmem:$0x110];
	_ =	sdelay $0x4  }
0x5b: {  	v57 =	vshll.u32 v3, $0x1  }
0x5c: {  	v3 =	vand.u32 $0x7, v3;
	v4 =	vand.u32 $0xFFFFFFF0, v57  }
0x5d: {  	v3 =	vor.u32 v3, v4  }
0x5e: {  	v4 =	vperm.xlane v3, v0;
	_ =	sdelay $0x1  }
0x5f: {  	v3 =	vperm.xlane v3, v2;
	v4 =	vadd.s32 v1, v4;
	_ =	sdelay $0x1  }
0x60: {  	v3 =	vadd.s32 v1, v3;
	_ =	sdelay $0x1  }
0x61: {  	s25 =	simm.s32 $0x11180  }
0x62: {  	[hbm4b:s3+s5] =	stream.indirect_vreg.scatter [tilespmem:s25], [sflag:$0x6], $0x80, v4, vm0, $0xb8;
	[tilespmem:$0x1C280] =	vst v63  }
0x63: {  	s29 =	simm.s32 $0x11980  }
0x64: {  	[hbm4b:s3+s5] =	stream.indirect_vreg.scatter [tilespmem:s29], [sflag:$0x6], $0x80, v3, vm0, $0xb8;
	[tilespmem:$0x1C280] =	vst v63  }
0x65: {  	v3 =	vld [tilespmem:$0x120];
	_ =	sdelay $0x4  }
0x66: {  	v58 =	vshll.u32 v3, $0x1  }
0x67: {  	v3 =	vand.u32 $0x7, v3;
	v4 =	vand.u32 $0xFFFFFFF0, v58  }
0x68: {  	v3 =	vor.u32 v3, v4  }
0x69: {  	v4 =	vperm.xlane v3, v0;
	_ =	sdelay $0x1  }
0x6a: {  	v3 =	vperm.xlane v3, v2;
	v4 =	vadd.s32 v1, v4;
	_ =	sdelay $0x1  }
0x6b: {  	v3 =	vadd.s32 v1, v3;
	_ =	sdelay $0x1  }
0x6c: {  	s25 =	simm.s32 $0x12180  }
0x6d: {  	[hbm4b:s3+s5] =	stream.indirect_vreg.scatter [tilespmem:s25], [sflag:$0x6], $0x80, v4, vm0, $0xb8;
	[tilespmem:$0x1C280] =	vst v63  }
0x6e: {  	s29 =	simm.s32 $0x12980  }
0x6f: {  	[hbm4b:s3+s5] =	stream.indirect_vreg.scatter [tilespmem:s29], [sflag:$0x6], $0x80, v3, vm0, $0xb8;
	[tilespmem:$0x1C280] =	vst v63  }
0x70: {  	v3 =	vld [tilespmem:$0x130];
	_ =	sdelay $0x4  }
0x71: {  	v59 =	vshll.u32 v3, $0x1  }
0x72: {  	v3 =	vand.u32 $0x7, v3;
	v4 =	vand.u32 $0xFFFFFFF0, v59  }
0x73: {  	v3 =	vor.u32 v3, v4  }
0x74: {  	v4 =	vperm.xlane v3, v0;
	_ =	sdelay $0x1  }
0x75: {  	v3 =	vperm.xlane v3, v2;
	v4 =	vadd.s32 v1, v4;
	_ =	sdelay $0x1  }
0x76: {  	v3 =	vadd.s32 v1, v3;
	_ =	sdelay $0x1  }
0x77: {  	s25 =	simm.s32 $0x13180  }
0x78: {  	[hbm4b:s3+s5] =	stream.indirect_vreg.scatter [tilespmem:s25], [sflag:$0x6], $0x80, v4, vm0, $0xb8;
	[tilespmem:$0x1C280] =	vst v63  }
0x79: {  	s29 =	simm.s32 $0x13980  }
0x7a: {  	[hbm4b:s3+s5] =	stream.indirect_vreg.scatter [tilespmem:s29], [sflag:$0x6], $0x80, v3, vm0, $0xb8;
	[tilespmem:$0x1C280] =	vst v63  }
0x7b: {  	v3 =	vld [tilespmem:$0x140];
	_ =	sdelay $0x4  }
0x7c: {  	v60 =	vshll.u32 v3, $0x1  }
0x7d: {  	v3 =	vand.u32 $0x7, v3;
	v4 =	vand.u32 $0xFFFFFFF0, v60  }
0x7e: {  	v3 =	vor.u32 v3, v4  }
0x7f: {  	v4 =	vperm.xlane v3, v0;
	_ =	sdelay $0x1  }
0x80: {  	v3 =	vperm.xlane v3, v2;
	v4 =	vadd.s32 v1, v4;
	_ =	sdelay $0x1  }
0x81: {  	v3 =	vadd.s32 v1, v3;
	_ =	sdelay $0x1  }
0x82: {  	s25 =	simm.s32 $0x14180  }
0x83: {  	[hbm4b:s3+s5] =	stream.indirect_vreg.scatter [tilespmem:s25], [sflag:$0x6], $0x80, v4, vm0, $0xb8;
	[tilespmem:$0x1C280] =	vst v63  }
0x84: {  	s29 =	simm.s32 $0x14980  }
0x85: {  	[hbm4b:s3+s5] =	stream.indirect_vreg.scatter [tilespmem:s29], [sflag:$0x6], $0x80, v3, vm0, $0xb8;
	[tilespmem:$0x1C280] =	vst v63  }
0x86: {  	v3 =	vld [tilespmem:$0x150];
	_ =	sdelay $0x4  }
0x87: {  	v61 =	vshll.u32 v3, $0x1  }
0x88: {  	v3 =	vand.u32 $0x7, v3;
	v4 =	vand.u32 $0xFFFFFFF0, v61  }
0x89: {  	v3 =	vor.u32 v3, v4  }
0x8a: {  	v4 =	vperm.xlane v3, v0;
	_ =	sdelay $0x1  }
0x8b: {  	v3 =	vperm.xlane v3, v2;
	v4 =	vadd.s32 v1, v4;
	_ =	sdelay $0x1  }
0x8c: {  	v3 =	vadd.s32 v1, v3;
	_ =	sdelay $0x1  }
0x8d: {  	s25 =	simm.s32 $0x15180  }
0x8e: {  	[hbm4b:s3+s5] =	stream.indirect_vreg.scatter [tilespmem:s25], [sflag:$0x6], $0x80, v4, vm0, $0xb8;
	[tilespmem:$0x1C280] =	vst v63  }
0x8f: {  	s29 =	simm.s32 $0x15980  }
0x90: {  	[hbm4b:s3+s5] =	stream.indirect_vreg.scatter [tilespmem:s29], [sflag:$0x6], $0x80, v3, vm0, $0xb8;
	[tilespmem:$0x1C280] =	vst v63  }
0x91: {  	v3 =	vld [tilespmem:$0x160];
	_ =	sdelay $0x4  }
0x92: {  	v62 =	vshll.u32 v3, $0x1  }
0x93: {  	v3 =	vand.u32 $0x7, v3;
	v4 =	vand.u32 $0xFFFFFFF0, v62  }
0x94: {  	v3 =	vor.u32 v3, v4  }
0x95: {  	v4 =	vperm.xlane v3, v0;
	_ =	sdelay $0x1  }
0x96: {  	v3 =	vperm.xlane v3, v2;
	v4 =	vadd.s32 v1, v4;
	_ =	sdelay $0x1  }
0x97: {  	v3 =	vadd.s32 v1, v3;
	_ =	sdelay $0x1  }
0x98: {  	s25 =	simm.s32 $0x16180  }
0x99: {  	[hbm4b:s3+s5] =	stream.indirect_vreg.scatter [tilespmem:s25], [sflag:$0x6], $0x80, v4, vm0, $0xb8;
	[tilespmem:$0x1C280] =	vst v63  }
0x9a: {  	s29 =	simm.s32 $0x16980  }
0x9b: {  	[hbm4b:s3+s5] =	stream.indirect_vreg.scatter [tilespmem:s29], [sflag:$0x6], $0x80, v3, vm0, $0xb8;
	[tilespmem:$0x1C280] =	vst v63  }
0x9c: {  	v3 =	vld [tilespmem:$0x170];
	_ =	sdelay $0x4  }
0x9d: {  	v63 =	vshll.u32 v3, $0x1  }
0x9e: {  	v3 =	vand.u32 $0x7, v3;
	v4 =	vand.u32 $0xFFFFFFF0, v63  }
0x9f: {  	v3 =	vor.u32 v3, v4  }
0xa0: {  	v4 =	vperm.xlane v3, v0;
	_ =	sdelay $0x1  }
0xa1: {  	v3 =	vperm.xlane v3, v2;
	v4 =	vadd.s32 v1, v4;
	_ =	sdelay $0x1  }
0xa2: {  	v3 =	vadd.s32 v1, v3;
	_ =	sdelay $0x1  }
0xa3: {  	s25 =	simm.s32 $0x17180  }
0xa4: {  	[hbm4b:s3+s5] =	stream.indirect_vreg.scatter [tilespmem:s25], [sflag:$0x6], $0x80, v4, vm0, $0xb8;
	[tilespmem:$0x1C280] =	vst v63  }
0xa5: {  	s29 =	simm.s32 $0x17980  }
0xa6: {  	[hbm4b:s3+s5] =	stream.indirect_vreg.scatter [tilespmem:s29], [sflag:$0x6], $0x80, v3, vm0, $0xb8;
	[tilespmem:$0x1C280] =	vst v63  }
.LBB2_7:
0xa7: {  	s24 =	sadd.s32 $0x1, s24  }
0xa8: {  	p2 =	sne.s32 s8, s24  }
.Ltmp3:
0xa9: {  	_ = 	snop;
	(pc) =	sbr.rel @!p2 .LBB2_8-.Ltmp3, $2  }
0xaa: {  	_ =	sdelay $0x2  }
0xab: {  	s30 =	sadd.s32 $0x1000, s30;
	s22 =	sadd.s32 $0x20, s22  }
.LBB2_2:
0xac: {  	s25 =	smulhi.u32 $0xAAAAAAAB, s24;
	_ =	sdelay $0x1  }
0xad: {  	s25 =	sshrl.u32 s25, $0x1  }
0xae: {  	s25 =	smul.u32 $0xFFFFFFFD, s25;
	_ =	sdelay $0x1  }
0xaf: {  	s25 =	sadd.s32 s25, s24  }
0xb0: {  	p2 =	seq.s32 s25, $0x2  }
.Ltmp4:
0xb1: {  	_ = 	snop;
	(pc) =	sbr.rel @p2 .LBB2_6-.Ltmp4, $1  }
0xb2: {  	_ =	sdelay $0x3  }
0xb3: {  	p2 =	seq.s32 s25, $0x1  }
.Ltmp5:
0xb4: {  	_ = 	snop;
	(pc) =	sbr.rel @!p2 .LBB2_4-.Ltmp5, $1  }
0xb5: {  	_ =	sdelay $0x3  }
0xb6: {  	p2 =	slt.u32 s24, $0x3;
	p3 =	sgt.u32 s22, $0x30C  }
0xb7: {  	s25 =	sadd.s32 $0xFFFE7980, s30;
	s29 =	smov.u32 s30;
	s23 =	simm.s32 @!p2 $0x5  }
0xb8: {  	s29 =	smov.u32 @p3 s25;
	_ =	swait.ge @!p2 [sflag:s23], $0x8000  }
0xb9: {  	s25 =	sshrl.u32 s29, $0x3;
	[sflag:s23] =	ssyncset.done @!p2 $0x0  }
0xba: {  	[sflag:s23] =	ssyncadd.s32 @!p2 $0xFFFF8000;
	s23 =	sadd.s32 s6, s25;
	s25 =	simm.s32 $0x80  }
0xbb: {  	[tilespmem:s25], [sflag:$0x2] =	stream.linear.gather [hbm4b:s23+s5], $0x80, $0x38;
	[tilespmem:$0x1C280] =	vst v63  }
0xbc: {  	s25 =	sshll.u32 s29, $0x5  }
0xbd: {  	s23 =	sadd.s32 s1, s25  }
0xbe: {  	[tilespmem:s12], [sflag:$0x2] =	stream.linear.gather [hbm4b:s23+s5], $0x8000, $0x38;
	[tilespmem:$0x1C280] =	vst v63  }
0xbf: {  	_ =	swait.ge [sflag:s10], $0x80  }
0xc0: {  	[sflag:s10] =	ssyncset.done $0x0  }
0xc1: {  	[sflag:s10] =	ssyncadd.s32 $0xFFFFFF80  }
0xc2: {  	_ =	swait.ge [sflag:s10], $0x8000  }
0xc3: {  	[sflag:s10] =	ssyncset.done $0x0  }
0xc4: {  	[sflag:s10] =	ssyncadd.s32 $0xFFFF8000  }
0xc5: {  	v3 =	vld [tilespmem:$0x80];
	_ =	sdelay $0x4  }
0xc6: {  	v4 =	vshll.u32 v3, $0x1  }
0xc7: {  	v3 =	vand.u32 $0x7, v3;
	v4 =	vand.u32 $0xFFFFFFF0, v4  }
0xc8: {  	v3 =	vor.u32 v3, v4  }
0xc9: {  	v4 =	vperm.xlane v3, v0;
	_ =	sdelay $0x1  }
0xca: {  	v3 =	vperm.xlane v3, v2;
	v4 =	vadd.s32 v1, v4;
	_ =	sdelay $0x1  }
0xcb: {  	v3 =	vadd.s32 v1, v3;
	_ =	sdelay $0x2  }
0xcc: {  	[hbm4b:s3+s5] =	stream.indirect_vreg.scatter [tilespmem:s12], [sflag:$0x5], $0x80, v4, vm0, $0xb8;
	[tilespmem:$0x1C280] =	vst v63  }
0xcd: {  	s29 =	simm.s32 $0x8980  }
0xce: {  	[hbm4b:s3+s5] =	stream.indirect_vreg.scatter [tilespmem:s29], [sflag:$0x5], $0x80, v3, vm0, $0xb8;
	[tilespmem:$0x1C280] =	vst v63  }
0xcf: {  	v3 =	vld [tilespmem:$0x90];
	_ =	sdelay $0x4  }
0xd0: {  	v57 =	vshll.u32 v3, $0x1  }
0xd1: {  	v3 =	vand.u32 $0x7, v3;
	v4 =	vand.u32 $0xFFFFFFF0, v57  }
0xd2: {  	v3 =	vor.u32 v3, v4  }
0xd3: {  	v4 =	vperm.xlane v3, v0;
	_ =	sdelay $0x1  }
0xd4: {  	v3 =	vperm.xlane v3, v2;
	v4 =	vadd.s32 v1, v4;
	_ =	sdelay $0x1  }
0xd5: {  	v3 =	vadd.s32 v1, v3;
	_ =	sdelay $0x1  }
0xd6: {  	s25 =	simm.s32 $0x9180  }
0xd7: {  	[hbm4b:s3+s5] =	stream.indirect_vreg.scatter [tilespmem:s25], [sflag:$0x5], $0x80, v4, vm0, $0xb8;
	[tilespmem:$0x1C280] =	vst v63  }
0xd8: {  	s29 =	simm.s32 $0x9980  }
0xd9: {  	[hbm4b:s3+s5] =	stream.indirect_vreg.scatter [tilespmem:s29], [sflag:$0x5], $0x80, v3, vm0, $0xb8;
	[tilespmem:$0x1C280] =	vst v63  }
0xda: {  	v3 =	vld [tilespmem:$0xA0];
	_ =	sdelay $0x4  }
0xdb: {  	v58 =	vshll.u32 v3, $0x1  }
0xdc: {  	v3 =	vand.u32 $0x7, v3;
	v4 =	vand.u32 $0xFFFFFFF0, v58  }
0xdd: {  	v3 =	vor.u32 v3, v4  }
0xde: {  	v4 =	vperm.xlane v3, v0;
	_ =	sdelay $0x1  }
0xdf: {  	v3 =	vperm.xlane v3, v2;
	v4 =	vadd.s32 v1, v4;
	_ =	sdelay $0x1  }
0xe0: {  	v3 =	vadd.s32 v1, v3;
	_ =	sdelay $0x1  }
0xe1: {  	s25 =	simm.s32 $0xA180  }
0xe2: {  	[hbm4b:s3+s5] =	stream.indirect_vreg.scatter [tilespmem:s25], [sflag:$0x5], $0x80, v4, vm0, $0xb8;
	[tilespmem:$0x1C280] =	vst v63  }
0xe3: {  	s29 =	simm.s32 $0xA980  }
0xe4: {  	[hbm4b:s3+s5] =	stream.indirect_vreg.scatter [tilespmem:s29], [sflag:$0x5], $0x80, v3, vm0, $0xb8;
	[tilespmem:$0x1C280] =	vst v63  }
0xe5: {  	v3 =	vld [tilespmem:$0xB0];
	_ =	sdelay $0x4  }
0xe6: {  	v59 =	vshll.u32 v3, $0x1  }
0xe7: {  	v3 =	vand.u32 $0x7, v3;
	v4 =	vand.u32 $0xFFFFFFF0, v59  }
0xe8: {  	v3 =	vor.u32 v3, v4  }
0xe9: {  	v4 =	vperm.xlane v3, v0;
	_ =	sdelay $0x1  }
0xea: {  	v3 =	vperm.xlane v3, v2;
	v4 =	vadd.s32 v1, v4;
	_ =	sdelay $0x1  }
0xeb: {  	v3 =	vadd.s32 v1, v3;
	_ =	sdelay $0x1  }
0xec: {  	s25 =	simm.s32 $0xB180  }
0xed: {  	[hbm4b:s3+s5] =	stream.indirect_vreg.scatter [tilespmem:s25], [sflag:$0x5], $0x80, v4, vm0, $0xb8;
	[tilespmem:$0x1C280] =	vst v63  }
0xee: {  	s29 =	simm.s32 $0xB980  }
0xef: {  	[hbm4b:s3+s5] =	stream.indirect_vreg.scatter [tilespmem:s29], [sflag:$0x5], $0x80, v3, vm0, $0xb8;
	[tilespmem:$0x1C280] =	vst v63  }
0xf0: {  	v3 =	vld [tilespmem:$0xC0];
	_ =	sdelay $0x4  }
0xf1: {  	v60 =	vshll.u32 v3, $0x1  }
0xf2: {  	v3 =	vand.u32 $0x7, v3;
	v4 =	vand.u32 $0xFFFFFFF0, v60  }
0xf3: {  	v3 =	vor.u32 v3, v4  }
0xf4: {  	v4 =	vperm.xlane v3, v0;
	_ =	sdelay $0x1  }
0xf5: {  	v3 =	vperm.xlane v3, v2;
	v4 =	vadd.s32 v1, v4;
	_ =	sdelay $0x1  }
0xf6: {  	v3 =	vadd.s32 v1, v3;
	_ =	sdelay $0x1  }
0xf7: {  	s25 =	simm.s32 $0xC180  }
0xf8: {  	[hbm4b:s3+s5] =	stream.indirect_vreg.scatter [tilespmem:s25], [sflag:$0x5], $0x80, v4, vm0, $0xb8;
	[tilespmem:$0x1C280] =	vst v63  }
0xf9: {  	s29 =	simm.s32 $0xC980  }
0xfa: {  	[hbm4b:s3+s5] =	stream.indirect_vreg.scatter [tilespmem:s29], [sflag:$0x5], $0x80, v3, vm0, $0xb8;
	[tilespmem:$0x1C280] =	vst v63  }
0xfb: {  	v3 =	vld [tilespmem:$0xD0];
	_ =	sdelay $0x4  }
0xfc: {  	v61 =	vshll.u32 v3, $0x1  }
0xfd: {  	v3 =	vand.u32 $0x7, v3;
	v4 =	vand.u32 $0xFFFFFFF0, v61  }
0xfe: {  	v3 =	vor.u32 v3, v4  }
0xff: {  	v4 =	vperm.xlane v3, v0;
	_ =	sdelay $0x1  }
0x100: {  	v3 =	vperm.xlane v3, v2;
	v4 =	vadd.s32 v1, v4;
	_ =	sdelay $0x1  }
0x101: {  	v3 =	vadd.s32 v1, v3;
	_ =	sdelay $0x1  }
0x102: {  	s25 =	simm.s32 $0xD180  }
0x103: {  	[hbm4b:s3+s5] =	stream.indirect_vreg.scatter [tilespmem:s25], [sflag:$0x5], $0x80, v4, vm0, $0xb8;
	[tilespmem:$0x1C280] =	vst v63  }
0x104: {  	s29 =	simm.s32 $0xD980  }
0x105: {  	[hbm4b:s3+s5] =	stream.indirect_vreg.scatter [tilespmem:s29], [sflag:$0x5], $0x80, v3, vm0, $0xb8;
	[tilespmem:$0x1C280] =	vst v63  }
0x106: {  	v3 =	vld [tilespmem:$0xE0];
	_ =	sdelay $0x4  }
0x107: {  	v62 =	vshll.u32 v3, $0x1  }
0x108: {  	v3 =	vand.u32 $0x7, v3;
	v4 =	vand.u32 $0xFFFFFFF0, v62  }
0x109: {  	v3 =	vor.u32 v3, v4  }
0x10a: {  	v4 =	vperm.xlane v3, v0;
	_ =	sdelay $0x1  }
0x10b: {  	v3 =	vperm.xlane v3, v2;
	v4 =	vadd.s32 v1, v4;
	_ =	sdelay $0x1  }
0x10c: {  	v3 =	vadd.s32 v1, v3;
	_ =	sdelay $0x1  }
0x10d: {  	s25 =	simm.s32 $0xE180  }
0x10e: {  	[hbm4b:s3+s5] =	stream.indirect_vreg.scatter [tilespmem:s25], [sflag:$0x5], $0x80, v4, vm0, $0xb8;
	[tilespmem:$0x1C280] =	vst v63  }
0x10f: {  	s29 =	simm.s32 $0xE980  }
0x110: {  	[hbm4b:s3+s5] =	stream.indirect_vreg.scatter [tilespmem:s29], [sflag:$0x5], $0x80, v3, vm0, $0xb8;
	[tilespmem:$0x1C280] =	vst v63  }
0x111: {  	v3 =	vld [tilespmem:$0xF0];
	_ =	sdelay $0x4  }
0x112: {  	v63 =	vshll.u32 v3, $0x1  }
0x113: {  	v3 =	vand.u32 $0x7, v3;
	v4 =	vand.u32 $0xFFFFFFF0, v63  }
0x114: {  	v3 =	vor.u32 v3, v4  }
0x115: {  	v4 =	vperm.xlane v3, v0;
	_ =	sdelay $0x1  }
0x116: {  	v3 =	vperm.xlane v3, v2;
	v4 =	vadd.s32 v1, v4;
	_ =	sdelay $0x1  }
0x117: {  	v3 =	vadd.s32 v1, v3  }
.Ltmp6:
0x118: {  	_ = 	snop;
	(pc) =	sbr.rel .LBB2_7-.Ltmp6, $4  }
0x119: {  	s25 =	simm.s32 $0xF180  }
0x11a: {  	[hbm4b:s3+s5] =	stream.indirect_vreg.scatter [tilespmem:s25], [sflag:$0x5], $0x80, v4, vm0, $0xb8;
	[tilespmem:$0x1C280] =	vst v63  }
0x11b: {  	s29 =	simm.s32 $0xF980  }
0x11c: {  	[hbm4b:s3+s5] =	stream.indirect_vreg.scatter [tilespmem:s29], [sflag:$0x5], $0x80, v3, vm0, $0xb8;
	[tilespmem:$0x1C280] =	vst v63  }
.LBB2_4:
0x11d: {  	p2 =	slt.u32 s24, $0x3;
	p3 =	sgt.u32 s22, $0x30C  }
0x11e: {  	s29 =	sadd.s32 $0xFFFE7980, s30;
	s23 =	smov.u32 s30;
	s25 =	simm.s32 @!p2 $0x4  }
0x11f: {  	s23 =	smov.u32 @p3 s29;
	_ =	swait.ge @!p2 [sflag:s25], $0x8000  }
0x120: {  	s29 =	sshrl.u32 s23, $0x3;
	[sflag:s25] =	ssyncset.done @!p2 $0x0  }
0x121: {  	s23 =	sshll.u32 s23, $0x5;
	s29 =	sadd.s32 s6, s29;
	[sflag:s25] =	ssyncadd.s32 @!p2 $0xFFFF8000  }
0x122: {  	[tilespmem:s5], [sflag:$0x1] =	stream.linear.gather [hbm4b:s29+s5], $0x80, $0x38;
	[tilespmem:$0x1C280] =	vst v63  }
0x123: {  	s23 =	sadd.s32 s1, s23  }
0x124: {  	[tilespmem:s26], [sflag:$0x1] =	stream.linear.gather [hbm4b:s23+s5], $0x8000, $0x38;
	[tilespmem:$0x1C280] =	vst v63  }
0x125: {  	_ =	swait.ge [sflag:s28], $0x80  }
0x126: {  	[sflag:s28] =	ssyncset.done $0x0  }
0x127: {  	[sflag:s28] =	ssyncadd.s32 $0xFFFFFF80  }
0x128: {  	_ =	swait.ge [sflag:s28], $0x8000  }
0x129: {  	[sflag:s28] =	ssyncset.done $0x0  }
0x12a: {  	[sflag:s28] =	ssyncadd.s32 $0xFFFF8000  }
0x12b: {  	v3 =	vld [tilespmem:$0x0];
	_ =	sdelay $0x4  }
0x12c: {  	v4 =	vshll.u32 v3, $0x1  }
0x12d: {  	v3 =	vand.u32 $0x7, v3;
	v4 =	vand.u32 $0xFFFFFFF0, v4  }
0x12e: {  	v3 =	vor.u32 v3, v4  }
0x12f: {  	v4 =	vperm.xlane v3, v0;
	_ =	sdelay $0x1  }
0x130: {  	v3 =	vperm.xlane v3, v2;
	v4 =	vadd.s32 v1, v4;
	_ =	sdelay $0x1  }
0x131: {  	v3 =	vadd.s32 v1, v3;
	_ =	sdelay $0x2  }
0x132: {  	[hbm4b:s3+s5] =	stream.indirect_vreg.scatter [tilespmem:s26], [sflag:$0x4], $0x80, v4, vm0, $0xb8;
	[tilespmem:$0x1C280] =	vst v63  }
0x133: {  	s25 =	simm.s32 $0x980  }
0x134: {  	[hbm4b:s3+s5] =	stream.indirect_vreg.scatter [tilespmem:s25], [sflag:$0x4], $0x80, v3, vm0, $0xb8;
	[tilespmem:$0x1C280] =	vst v63  }
0x135: {  	v3 =	vld [tilespmem:$0x10];
	_ =	sdelay $0x4  }
0x136: {  	v57 =	vshll.u32 v3, $0x1  }
0x137: {  	v3 =	vand.u32 $0x7, v3;
	v4 =	vand.u32 $0xFFFFFFF0, v57  }
0x138: {  	v3 =	vor.u32 v3, v4  }
0x139: {  	v4 =	vperm.xlane v3, v0;
	_ =	sdelay $0x1  }
0x13a: {  	v3 =	vperm.xlane v3, v2;
	v4 =	vadd.s32 v1, v4;
	_ =	sdelay $0x1  }
0x13b: {  	v3 =	vadd.s32 v1, v3;
	_ =	sdelay $0x1  }
0x13c: {  	s29 =	simm.s32 $0x1180  }
0x13d: {  	[hbm4b:s3+s5] =	stream.indirect_vreg.scatter [tilespmem:s29], [sflag:$0x4], $0x80, v4, vm0, $0xb8;
	[tilespmem:$0x1C280] =	vst v63  }
0x13e: {  	_ = 	snop  }
0x13f: {  	[hbm4b:s3+s5] =	stream.indirect_vreg.scatter [tilespmem:s31], [sflag:$0x4], $0x80, v3, vm0, $0xb8;
	[tilespmem:$0x1C280] =	vst v63  }
0x140: {  	v3 =	vld [tilespmem:$0x20];
	_ =	sdelay $0x4  }
0x141: {  	v58 =	vshll.u32 v3, $0x1  }
0x142: {  	v3 =	vand.u32 $0x7, v3;
	v4 =	vand.u32 $0xFFFFFFF0, v58  }
0x143: {  	v3 =	vor.u32 v3, v4  }
0x144: {  	v4 =	vperm.xlane v3, v0;
	_ =	sdelay $0x1  }
0x145: {  	v3 =	vperm.xlane v3, v2;
	v4 =	vadd.s32 v1, v4;
	_ =	sdelay $0x1  }
0x146: {  	v3 =	vadd.s32 v1, v3;
	_ =	sdelay $0x2  }
0x147: {  	[hbm4b:s3+s5] =	stream.indirect_vreg.scatter [tilespmem:s11], [sflag:$0x4], $0x80, v4, vm0, $0xb8;
	[tilespmem:$0x1C280] =	vst v63  }
0x148: {  	_ = 	snop  }
0x149: {  	[hbm4b:s3+s5] =	stream.indirect_vreg.scatter [tilespmem:s7], [sflag:$0x4], $0x80, v3, vm0, $0xb8;
	[tilespmem:$0x1C280] =	vst v63  }
0x14a: {  	v3 =	vld [tilespmem:$0x30];
	_ =	sdelay $0x4  }
0x14b: {  	v59 =	vshll.u32 v3, $0x1  }
0x14c: {  	v3 =	vand.u32 $0x7, v3;
	v4 =	vand.u32 $0xFFFFFFF0, v59  }
0x14d: {  	v3 =	vor.u32 v3, v4  }
0x14e: {  	v4 =	vperm.xlane v3, v0;
	_ =	sdelay $0x1  }
0x14f: {  	v3 =	vperm.xlane v3, v2;
	v4 =	vadd.s32 v1, v4;
	_ =	sdelay $0x1  }
0x150: {  	v3 =	vadd.s32 v1, v3;
	_ =	sdelay $0x2  }
0x151: {  	[hbm4b:s3+s5] =	stream.indirect_vreg.scatter [tilespmem:s0], [sflag:$0x4], $0x80, v4, vm0, $0xb8;
	[tilespmem:$0x1C280] =	vst v63  }
0x152: {  	_ = 	snop  }
0x153: {  	[hbm4b:s3+s5] =	stream.indirect_vreg.scatter [tilespmem:s4], [sflag:$0x4], $0x80, v3, vm0, $0xb8;
	[tilespmem:$0x1C280] =	vst v63  }
0x154: {  	v3 =	vld [tilespmem:$0x40];
	_ =	sdelay $0x4  }
0x155: {  	v60 =	vshll.u32 v3, $0x1  }
0x156: {  	v3 =	vand.u32 $0x7, v3;
	v4 =	vand.u32 $0xFFFFFFF0, v60  }
0x157: {  	v3 =	vor.u32 v3, v4  }
0x158: {  	v4 =	vperm.xlane v3, v0;
	_ =	sdelay $0x1  }
0x159: {  	v3 =	vperm.xlane v3, v2;
	v4 =	vadd.s32 v1, v4;
	_ =	sdelay $0x1  }
0x15a: {  	v3 =	vadd.s32 v1, v3;
	_ =	sdelay $0x2  }
0x15b: {  	[hbm4b:s3+s5] =	stream.indirect_vreg.scatter [tilespmem:s9], [sflag:$0x4], $0x80, v4, vm0, $0xb8;
	[tilespmem:$0x1C280] =	vst v63  }
0x15c: {  	_ = 	snop  }
0x15d: {  	[hbm4b:s3+s5] =	stream.indirect_vreg.scatter [tilespmem:s13], [sflag:$0x4], $0x80, v3, vm0, $0xb8;
	[tilespmem:$0x1C280] =	vst v63  }
0x15e: {  	v3 =	vld [tilespmem:$0x50];
	_ =	sdelay $0x4  }
0x15f: {  	v61 =	vshll.u32 v3, $0x1  }
0x160: {  	v3 =	vand.u32 $0x7, v3;
	v4 =	vand.u32 $0xFFFFFFF0, v61  }
0x161: {  	v3 =	vor.u32 v3, v4  }
0x162: {  	v4 =	vperm.xlane v3, v0;
	_ =	sdelay $0x1  }
0x163: {  	v3 =	vperm.xlane v3, v2;
	v4 =	vadd.s32 v1, v4;
	_ =	sdelay $0x1  }
0x164: {  	v3 =	vadd.s32 v1, v3;
	_ =	sdelay $0x2  }
0x165: {  	[hbm4b:s3+s5] =	stream.indirect_vreg.scatter [tilespmem:s16], [sflag:$0x4], $0x80, v4, vm0, $0xb8;
	[tilespmem:$0x1C280] =	vst v63  }
0x166: {  	_ = 	snop  }
0x167: {  	[hbm4b:s3+s5] =	stream.indirect_vreg.scatter [tilespmem:s17], [sflag:$0x4], $0x80, v3, vm0, $0xb8;
	[tilespmem:$0x1C280] =	vst v63  }
0x168: {  	v3 =	vld [tilespmem:$0x60];
	_ =	sdelay $0x4  }
0x169: {  	v62 =	vshll.u32 v3, $0x1  }
0x16a: {  	v3 =	vand.u32 $0x7, v3;
	v4 =	vand.u32 $0xFFFFFFF0, v62  }
0x16b: {  	v3 =	vor.u32 v3, v4  }
0x16c: {  	v4 =	vperm.xlane v3, v0;
	_ =	sdelay $0x1  }
0x16d: {  	v3 =	vperm.xlane v3, v2;
	v4 =	vadd.s32 v1, v4;
	_ =	sdelay $0x1  }
0x16e: {  	v3 =	vadd.s32 v1, v3;
	_ =	sdelay $0x2  }
0x16f: {  	[hbm4b:s3+s5] =	stream.indirect_vreg.scatter [tilespmem:s18], [sflag:$0x4], $0x80, v4, vm0, $0xb8;
	[tilespmem:$0x1C280] =	vst v63  }
0x170: {  	_ = 	snop  }
0x171: {  	[hbm4b:s3+s5] =	stream.indirect_vreg.scatter [tilespmem:s19], [sflag:$0x4], $0x80, v3, vm0, $0xb8;
	[tilespmem:$0x1C280] =	vst v63  }
0x172: {  	v3 =	vld [tilespmem:$0x70];
	_ =	sdelay $0x4  }
0x173: {  	v63 =	vshll.u32 v3, $0x1  }
0x174: {  	v3 =	vand.u32 $0x7, v3;
	v4 =	vand.u32 $0xFFFFFFF0, v63  }
0x175: {  	v3 =	vor.u32 v3, v4  }
0x176: {  	v4 =	vperm.xlane v3, v0;
	_ =	sdelay $0x1  }
0x177: {  	v3 =	vperm.xlane v3, v2;
	v4 =	vadd.s32 v1, v4;
	_ =	sdelay $0x1  }
0x178: {  	v3 =	vadd.s32 v1, v3  }
.Ltmp7:
0x179: {  	_ = 	snop;
	(pc) =	sbr.rel .LBB2_7-.Ltmp7, $4  }
0x17a: {  	_ = 	snop  }
0x17b: {  	[hbm4b:s3+s5] =	stream.indirect_vreg.scatter [tilespmem:s20], [sflag:$0x4], $0x80, v4, vm0, $0xb8;
	[tilespmem:$0x1C280] =	vst v63  }
0x17c: {  	_ = 	snop  }
0x17d: {  	[hbm4b:s3+s5] =	stream.indirect_vreg.scatter [tilespmem:s21], [sflag:$0x4], $0x80, v3, vm0, $0xb8;
	[tilespmem:$0x1C280] =	vst v63  }
.LBB2_8:
0x17e: {  	s22 =	simm.s32 $0x4  }
0x17f: {  	_ =	swait.ge [sflag:s22], $0x8000  }
0x180: {  	[sflag:s22] =	ssyncset.done $0x0  }
0x181: {  	s29 =	simm.s32 $0x5;
	[sflag:s22] =	ssyncadd.s32 $0xFFFF8000  }
0x182: {  	_ =	swait.ge [sflag:s29], $0x8000  }
.Ltmp8:
0x183: {  	[sflag:s29] =	ssyncset.done $0x0;
	(pc) =	sbr.rel .LBB2_9-.Ltmp8, $4  }
0x184: {  	s30 =	simm.s32 $0x6;
	[sflag:s29] =	ssyncadd.s32 $0xFFFF8000  }
0x185: {  	_ =	swait.ge [sflag:s30], $0x8000  }
0x186: {  	[sflag:s30] =	ssyncset.done $0x0;
	s23 =	rddreg [dreg:$0x5]  }
0x187: {  	s22 =	simm.s32 $0x0;
	s24 =	rddreg [dreg:$0x9];
	[sflag:s30] =	ssyncadd.s32 $0xFFFF8000  }
.LBB2_13:
0x188: {  	p2 =	slt.u32 s22, $0x3  }
0x189: {  	p3 =	sgt.u32 s23, $0x30C;
	s25 =	sadd.s32 $0xFFFE7980, s24;
	s29 =	smov.u32 s24  }
0x18a: {  	s29 =	smov.u32 @p3 s25;
	s25 =	simm.s32 @!p2 $0x6  }
0x18b: {  	_ =	swait.ge @!p2 [sflag:s25], $0x8000;
	s30 =	sadd.s32 $0x18700, s29  }
0x18c: {  	s29 =	sshll.u32 s29, $0x5;
	[sflag:s25] =	ssyncset.done @!p2 $0x0;
	s30 =	sshrl.u32 s30, $0x3  }
0x18d: {  	[sflag:s25] =	ssyncadd.s32 @!p2 $0xFFFF8000;
	s25 =	sadd.s32 s6, s30;
	s30 =	simm.s32 $0x100  }
0x18e: {  	[tilespmem:s30], [sflag:$0x3] =	stream.linear.gather [hbm4b:s25+s5], $0x80, $0x38;
	[tilespmem:$0x1C280] =	vst v63  }
0x18f: {  	s25 =	sadd.s32 s2, s29  }
0x190: {  	[tilespmem:s14], [sflag:$0x3] =	stream.linear.gather [hbm4b:s25+s5], $0x8000, $0x38;
	[tilespmem:$0x1C280] =	vst v63  }
0x191: {  	_ =	swait.ge [sflag:s15], $0x80  }
0x192: {  	[sflag:s15] =	ssyncset.done $0x0  }
0x193: {  	[sflag:s15] =	ssyncadd.s32 $0xFFFFFF80  }
0x194: {  	_ =	swait.ge [sflag:s15], $0x8000  }
0x195: {  	[sflag:s15] =	ssyncset.done $0x0  }
0x196: {  	[sflag:s15] =	ssyncadd.s32 $0xFFFF8000  }
0x197: {  	v3 =	vld [tilespmem:$0x100];
	_ =	sdelay $0x4  }
0x198: {  	v4 =	vshll.u32 v3, $0x1  }
0x199: {  	v3 =	vand.u32 $0x7, v3;
	v4 =	vand.u32 $0xFFFFFFF0, v4  }
0x19a: {  	v3 =	vor.u32 v3, v4  }
0x19b: {  	v4 =	vperm.xlane v3, v0;
	_ =	sdelay $0x1  }
0x19c: {  	v3 =	vperm.xlane v3, v2;
	v4 =	vadd.s32 v1, v4;
	_ =	sdelay $0x1  }
0x19d: {  	v3 =	vadd.s32 v1, v3;
	_ =	sdelay $0x2  }
0x19e: {  	[hbm4b:s3+s5] =	stream.indirect_vreg.scatter [tilespmem:s14], [sflag:$0x6], $0x80, v4, vm0, $0xb8;
	[tilespmem:$0x1C280] =	vst v63  }
0x19f: {  	s30 =	simm.s32 $0x10980  }
0x1a0: {  	[hbm4b:s3+s5] =	stream.indirect_vreg.scatter [tilespmem:s30], [sflag:$0x6], $0x80, v3, vm0, $0xb8;
	[tilespmem:$0x1C280] =	vst v63  }
0x1a1: {  	v3 =	vld [tilespmem:$0x110];
	_ =	sdelay $0x4  }
0x1a2: {  	v57 =	vshll.u32 v3, $0x1  }
0x1a3: {  	v3 =	vand.u32 $0x7, v3;
	v4 =	vand.u32 $0xFFFFFFF0, v57  }
0x1a4: {  	v3 =	vor.u32 v3, v4  }
0x1a5: {  	v4 =	vperm.xlane v3, v0;
	_ =	sdelay $0x1  }
0x1a6: {  	v3 =	vperm.xlane v3, v2;
	v4 =	vadd.s32 v1, v4;
	_ =	sdelay $0x1  }
0x1a7: {  	v3 =	vadd.s32 v1, v3;
	_ =	sdelay $0x1  }
0x1a8: {  	s29 =	simm.s32 $0x11180  }
0x1a9: {  	[hbm4b:s3+s5] =	stream.indirect_vreg.scatter [tilespmem:s29], [sflag:$0x6], $0x80, v4, vm0, $0xb8;
	[tilespmem:$0x1C280] =	vst v63  }
0x1aa: {  	s30 =	simm.s32 $0x11980  }
0x1ab: {  	[hbm4b:s3+s5] =	stream.indirect_vreg.scatter [tilespmem:s30], [sflag:$0x6], $0x80, v3, vm0, $0xb8;
	[tilespmem:$0x1C280] =	vst v63  }
0x1ac: {  	v3 =	vld [tilespmem:$0x120];
	_ =	sdelay $0x4  }
0x1ad: {  	v58 =	vshll.u32 v3, $0x1  }
0x1ae: {  	v3 =	vand.u32 $0x7, v3;
	v4 =	vand.u32 $0xFFFFFFF0, v58  }
0x1af: {  	v3 =	vor.u32 v3, v4  }
0x1b0: {  	v4 =	vperm.xlane v3, v0;
	_ =	sdelay $0x1  }
0x1b1: {  	v3 =	vperm.xlane v3, v2;
	v4 =	vadd.s32 v1, v4;
	_ =	sdelay $0x1  }
0x1b2: {  	v3 =	vadd.s32 v1, v3;
	_ =	sdelay $0x1  }
0x1b3: {  	s29 =	simm.s32 $0x12180  }
0x1b4: {  	[hbm4b:s3+s5] =	stream.indirect_vreg.scatter [tilespmem:s29], [sflag:$0x6], $0x80, v4, vm0, $0xb8;
	[tilespmem:$0x1C280] =	vst v63  }
0x1b5: {  	s30 =	simm.s32 $0x12980  }
0x1b6: {  	[hbm4b:s3+s5] =	stream.indirect_vreg.scatter [tilespmem:s30], [sflag:$0x6], $0x80, v3, vm0, $0xb8;
	[tilespmem:$0x1C280] =	vst v63  }
0x1b7: {  	v3 =	vld [tilespmem:$0x130];
	_ =	sdelay $0x4  }
0x1b8: {  	v59 =	vshll.u32 v3, $0x1  }
0x1b9: {  	v3 =	vand.u32 $0x7, v3;
	v4 =	vand.u32 $0xFFFFFFF0, v59  }
0x1ba: {  	v3 =	vor.u32 v3, v4  }
0x1bb: {  	v4 =	vperm.xlane v3, v0;
	_ =	sdelay $0x1  }
0x1bc: {  	v3 =	vperm.xlane v3, v2;
	v4 =	vadd.s32 v1, v4;
	_ =	sdelay $0x1  }
0x1bd: {  	v3 =	vadd.s32 v1, v3;
	_ =	sdelay $0x1  }
0x1be: {  	s29 =	simm.s32 $0x13180  }
0x1bf: {  	[hbm4b:s3+s5] =	stream.indirect_vreg.scatter [tilespmem:s29], [sflag:$0x6], $0x80, v4, vm0, $0xb8;
	[tilespmem:$0x1C280] =	vst v63  }
0x1c0: {  	s30 =	simm.s32 $0x13980  }
0x1c1: {  	[hbm4b:s3+s5] =	stream.indirect_vreg.scatter [tilespmem:s30], [sflag:$0x6], $0x80, v3, vm0, $0xb8;
	[tilespmem:$0x1C280] =	vst v63  }
0x1c2: {  	v3 =	vld [tilespmem:$0x140];
	_ =	sdelay $0x4  }
0x1c3: {  	v60 =	vshll.u32 v3, $0x1  }
0x1c4: {  	v3 =	vand.u32 $0x7, v3;
	v4 =	vand.u32 $0xFFFFFFF0, v60  }
0x1c5: {  	v3 =	vor.u32 v3, v4  }
0x1c6: {  	v4 =	vperm.xlane v3, v0;
	_ =	sdelay $0x1  }
0x1c7: {  	v3 =	vperm.xlane v3, v2;
	v4 =	vadd.s32 v1, v4;
	_ =	sdelay $0x1  }
0x1c8: {  	v3 =	vadd.s32 v1, v3;
	_ =	sdelay $0x1  }
0x1c9: {  	s29 =	simm.s32 $0x14180  }
0x1ca: {  	[hbm4b:s3+s5] =	stream.indirect_vreg.scatter [tilespmem:s29], [sflag:$0x6], $0x80, v4, vm0, $0xb8;
	[tilespmem:$0x1C280] =	vst v63  }
0x1cb: {  	s30 =	simm.s32 $0x14980  }
0x1cc: {  	[hbm4b:s3+s5] =	stream.indirect_vreg.scatter [tilespmem:s30], [sflag:$0x6], $0x80, v3, vm0, $0xb8;
	[tilespmem:$0x1C280] =	vst v63  }
0x1cd: {  	v3 =	vld [tilespmem:$0x150];
	_ =	sdelay $0x4  }
0x1ce: {  	v61 =	vshll.u32 v3, $0x1  }
0x1cf: {  	v3 =	vand.u32 $0x7, v3;
	v4 =	vand.u32 $0xFFFFFFF0, v61  }
0x1d0: {  	v3 =	vor.u32 v3, v4  }
0x1d1: {  	v4 =	vperm.xlane v3, v0;
	_ =	sdelay $0x1  }
0x1d2: {  	v3 =	vperm.xlane v3, v2;
	v4 =	vadd.s32 v1, v4;
	_ =	sdelay $0x1  }
0x1d3: {  	v3 =	vadd.s32 v1, v3;
	_ =	sdelay $0x1  }
0x1d4: {  	s29 =	simm.s32 $0x15180  }
0x1d5: {  	[hbm4b:s3+s5] =	stream.indirect_vreg.scatter [tilespmem:s29], [sflag:$0x6], $0x80, v4, vm0, $0xb8;
	[tilespmem:$0x1C280] =	vst v63  }
0x1d6: {  	s30 =	simm.s32 $0x15980  }
0x1d7: {  	[hbm4b:s3+s5] =	stream.indirect_vreg.scatter [tilespmem:s30], [sflag:$0x6], $0x80, v3, vm0, $0xb8;
	[tilespmem:$0x1C280] =	vst v63  }
0x1d8: {  	v3 =	vld [tilespmem:$0x160];
	_ =	sdelay $0x4  }
0x1d9: {  	v62 =	vshll.u32 v3, $0x1  }
0x1da: {  	v3 =	vand.u32 $0x7, v3;
	v4 =	vand.u32 $0xFFFFFFF0, v62  }
0x1db: {  	v3 =	vor.u32 v3, v4  }
0x1dc: {  	v4 =	vperm.xlane v3, v0;
	_ =	sdelay $0x1  }
0x1dd: {  	v3 =	vperm.xlane v3, v2;
	v4 =	vadd.s32 v1, v4;
	_ =	sdelay $0x1  }
0x1de: {  	v3 =	vadd.s32 v1, v3;
	_ =	sdelay $0x1  }
0x1df: {  	s29 =	simm.s32 $0x16180  }
0x1e0: {  	[hbm4b:s3+s5] =	stream.indirect_vreg.scatter [tilespmem:s29], [sflag:$0x6], $0x80, v4, vm0, $0xb8;
	[tilespmem:$0x1C280] =	vst v63  }
0x1e1: {  	s30 =	simm.s32 $0x16980  }
0x1e2: {  	[hbm4b:s3+s5] =	stream.indirect_vreg.scatter [tilespmem:s30], [sflag:$0x6], $0x80, v3, vm0, $0xb8;
	[tilespmem:$0x1C280] =	vst v63  }
0x1e3: {  	v3 =	vld [tilespmem:$0x170];
	_ =	sdelay $0x4  }
0x1e4: {  	v63 =	vshll.u32 v3, $0x1  }
0x1e5: {  	v3 =	vand.u32 $0x7, v3;
	v4 =	vand.u32 $0xFFFFFFF0, v63  }
0x1e6: {  	v3 =	vor.u32 v3, v4  }
0x1e7: {  	v4 =	vperm.xlane v3, v0;
	_ =	sdelay $0x1  }
0x1e8: {  	v3 =	vperm.xlane v3, v2;
	v4 =	vadd.s32 v1, v4;
	_ =	sdelay $0x1  }
0x1e9: {  	v3 =	vadd.s32 v1, v3;
	_ =	sdelay $0x1  }
0x1ea: {  	s29 =	simm.s32 $0x17180  }
0x1eb: {  	[hbm4b:s3+s5] =	stream.indirect_vreg.scatter [tilespmem:s29], [sflag:$0x6], $0x80, v4, vm0, $0xb8;
	[tilespmem:$0x1C280] =	vst v63  }
0x1ec: {  	s30 =	simm.s32 $0x17980  }
0x1ed: {  	[hbm4b:s3+s5] =	stream.indirect_vreg.scatter [tilespmem:s30], [sflag:$0x6], $0x80, v3, vm0, $0xb8;
	[tilespmem:$0x1C280] =	vst v63  }
.LBB2_14:
0x1ee: {  	s22 =	sadd.s32 $0x1, s22  }
0x1ef: {  	p2 =	sne.s32 s8, s22  }
.Ltmp9:
0x1f0: {  	_ = 	snop;
	(pc) =	sbr.rel @!p2 .LBB2_15-.Ltmp9, $2  }
0x1f1: {  	_ =	sdelay $0x2  }
0x1f2: {  	s24 =	sadd.s32 $0x1000, s24;
	s23 =	sadd.s32 $0x20, s23  }
.LBB2_9:
0x1f3: {  	s25 =	smulhi.u32 $0xAAAAAAAB, s22;
	_ =	sdelay $0x1  }
0x1f4: {  	s25 =	sshrl.u32 s25, $0x1  }
0x1f5: {  	s25 =	smul.u32 $0xFFFFFFFD, s25;
	_ =	sdelay $0x1  }
0x1f6: {  	s25 =	sadd.s32 s25, s22  }
0x1f7: {  	p2 =	seq.s32 s25, $0x2  }
.Ltmp10:
0x1f8: {  	_ = 	snop;
	(pc) =	sbr.rel @p2 .LBB2_13-.Ltmp10, $1  }
0x1f9: {  	_ =	sdelay $0x3  }
0x1fa: {  	p2 =	seq.s32 s25, $0x1  }
.Ltmp11:
0x1fb: {  	_ = 	snop;
	(pc) =	sbr.rel @!p2 .LBB2_11-.Ltmp11, $1  }
0x1fc: {  	_ =	sdelay $0x3  }
0x1fd: {  	p2 =	slt.u32 s22, $0x3  }
0x1fe: {  	p3 =	sgt.u32 s23, $0x30C;
	s25 =	sadd.s32 $0xFFFE7980, s24;
	s29 =	smov.u32 s24  }
0x1ff: {  	s29 =	smov.u32 @p3 s25;
	s25 =	simm.s32 @!p2 $0x5  }
0x200: {  	_ =	swait.ge @!p2 [sflag:s25], $0x8000;
	s30 =	sadd.s32 $0x18700, s29  }
0x201: {  	s29 =	sshll.u32 s29, $0x5;
	[sflag:s25] =	ssyncset.done @!p2 $0x0;
	s30 =	sshrl.u32 s30, $0x3  }
0x202: {  	[sflag:s25] =	ssyncadd.s32 @!p2 $0xFFFF8000;
	s25 =	sadd.s32 s6, s30;
	s30 =	simm.s32 $0x80  }
0x203: {  	[tilespmem:s30], [sflag:$0x2] =	stream.linear.gather [hbm4b:s25+s5], $0x80, $0x38;
	[tilespmem:$0x1C280] =	vst v63  }
0x204: {  	s25 =	sadd.s32 s2, s29  }
0x205: {  	[tilespmem:s12], [sflag:$0x2] =	stream.linear.gather [hbm4b:s25+s5], $0x8000, $0x38;
	[tilespmem:$0x1C280] =	vst v63  }
0x206: {  	_ =	swait.ge [sflag:s10], $0x80  }
0x207: {  	[sflag:s10] =	ssyncset.done $0x0  }
0x208: {  	[sflag:s10] =	ssyncadd.s32 $0xFFFFFF80  }
0x209: {  	_ =	swait.ge [sflag:s10], $0x8000  }
0x20a: {  	[sflag:s10] =	ssyncset.done $0x0  }
0x20b: {  	[sflag:s10] =	ssyncadd.s32 $0xFFFF8000  }
0x20c: {  	v3 =	vld [tilespmem:$0x80];
	_ =	sdelay $0x4  }
0x20d: {  	v4 =	vshll.u32 v3, $0x1  }
0x20e: {  	v3 =	vand.u32 $0x7, v3;
	v4 =	vand.u32 $0xFFFFFFF0, v4  }
0x20f: {  	v3 =	vor.u32 v3, v4  }
0x210: {  	v4 =	vperm.xlane v3, v0;
	_ =	sdelay $0x1  }
0x211: {  	v3 =	vperm.xlane v3, v2;
	v4 =	vadd.s32 v1, v4;
	_ =	sdelay $0x1  }
0x212: {  	v3 =	vadd.s32 v1, v3;
	_ =	sdelay $0x2  }
0x213: {  	[hbm4b:s3+s5] =	stream.indirect_vreg.scatter [tilespmem:s12], [sflag:$0x5], $0x80, v4, vm0, $0xb8;
	[tilespmem:$0x1C280] =	vst v63  }
0x214: {  	s30 =	simm.s32 $0x8980  }
0x215: {  	[hbm4b:s3+s5] =	stream.indirect_vreg.scatter [tilespmem:s30], [sflag:$0x5], $0x80, v3, vm0, $0xb8;
	[tilespmem:$0x1C280] =	vst v63  }
0x216: {  	v3 =	vld [tilespmem:$0x90];
	_ =	sdelay $0x4  }
0x217: {  	v57 =	vshll.u32 v3, $0x1  }
0x218: {  	v3 =	vand.u32 $0x7, v3;
	v4 =	vand.u32 $0xFFFFFFF0, v57  }
0x219: {  	v3 =	vor.u32 v3, v4  }
0x21a: {  	v4 =	vperm.xlane v3, v0;
	_ =	sdelay $0x1  }
0x21b: {  	v3 =	vperm.xlane v3, v2;
	v4 =	vadd.s32 v1, v4;
	_ =	sdelay $0x1  }
0x21c: {  	v3 =	vadd.s32 v1, v3;
	_ =	sdelay $0x1  }
0x21d: {  	s29 =	simm.s32 $0x9180  }
0x21e: {  	[hbm4b:s3+s5] =	stream.indirect_vreg.scatter [tilespmem:s29], [sflag:$0x5], $0x80, v4, vm0, $0xb8;
	[tilespmem:$0x1C280] =	vst v63  }
0x21f: {  	s30 =	simm.s32 $0x9980  }
0x220: {  	[hbm4b:s3+s5] =	stream.indirect_vreg.scatter [tilespmem:s30], [sflag:$0x5], $0x80, v3, vm0, $0xb8;
	[tilespmem:$0x1C280] =	vst v63  }
0x221: {  	v3 =	vld [tilespmem:$0xA0];
	_ =	sdelay $0x4  }
0x222: {  	v58 =	vshll.u32 v3, $0x1  }
0x223: {  	v3 =	vand.u32 $0x7, v3;
	v4 =	vand.u32 $0xFFFFFFF0, v58  }
0x224: {  	v3 =	vor.u32 v3, v4  }
0x225: {  	v4 =	vperm.xlane v3, v0;
	_ =	sdelay $0x1  }
0x226: {  	v3 =	vperm.xlane v3, v2;
	v4 =	vadd.s32 v1, v4;
	_ =	sdelay $0x1  }
0x227: {  	v3 =	vadd.s32 v1, v3;
	_ =	sdelay $0x1  }
0x228: {  	s29 =	simm.s32 $0xA180  }
0x229: {  	[hbm4b:s3+s5] =	stream.indirect_vreg.scatter [tilespmem:s29], [sflag:$0x5], $0x80, v4, vm0, $0xb8;
	[tilespmem:$0x1C280] =	vst v63  }
0x22a: {  	s30 =	simm.s32 $0xA980  }
0x22b: {  	[hbm4b:s3+s5] =	stream.indirect_vreg.scatter [tilespmem:s30], [sflag:$0x5], $0x80, v3, vm0, $0xb8;
	[tilespmem:$0x1C280] =	vst v63  }
0x22c: {  	v3 =	vld [tilespmem:$0xB0];
	_ =	sdelay $0x4  }
0x22d: {  	v59 =	vshll.u32 v3, $0x1  }
0x22e: {  	v3 =	vand.u32 $0x7, v3;
	v4 =	vand.u32 $0xFFFFFFF0, v59  }
0x22f: {  	v3 =	vor.u32 v3, v4  }
0x230: {  	v4 =	vperm.xlane v3, v0;
	_ =	sdelay $0x1  }
0x231: {  	v3 =	vperm.xlane v3, v2;
	v4 =	vadd.s32 v1, v4;
	_ =	sdelay $0x1  }
0x232: {  	v3 =	vadd.s32 v1, v3;
	_ =	sdelay $0x1  }
0x233: {  	s29 =	simm.s32 $0xB180  }
0x234: {  	[hbm4b:s3+s5] =	stream.indirect_vreg.scatter [tilespmem:s29], [sflag:$0x5], $0x80, v4, vm0, $0xb8;
	[tilespmem:$0x1C280] =	vst v63  }
0x235: {  	s30 =	simm.s32 $0xB980  }
0x236: {  	[hbm4b:s3+s5] =	stream.indirect_vreg.scatter [tilespmem:s30], [sflag:$0x5], $0x80, v3, vm0, $0xb8;
	[tilespmem:$0x1C280] =	vst v63  }
0x237: {  	v3 =	vld [tilespmem:$0xC0];
	_ =	sdelay $0x4  }
0x238: {  	v60 =	vshll.u32 v3, $0x1  }
0x239: {  	v3 =	vand.u32 $0x7, v3;
	v4 =	vand.u32 $0xFFFFFFF0, v60  }
0x23a: {  	v3 =	vor.u32 v3, v4  }
0x23b: {  	v4 =	vperm.xlane v3, v0;
	_ =	sdelay $0x1  }
0x23c: {  	v3 =	vperm.xlane v3, v2;
	v4 =	vadd.s32 v1, v4;
	_ =	sdelay $0x1  }
0x23d: {  	v3 =	vadd.s32 v1, v3;
	_ =	sdelay $0x1  }
0x23e: {  	s29 =	simm.s32 $0xC180  }
0x23f: {  	[hbm4b:s3+s5] =	stream.indirect_vreg.scatter [tilespmem:s29], [sflag:$0x5], $0x80, v4, vm0, $0xb8;
	[tilespmem:$0x1C280] =	vst v63  }
0x240: {  	s30 =	simm.s32 $0xC980  }
0x241: {  	[hbm4b:s3+s5] =	stream.indirect_vreg.scatter [tilespmem:s30], [sflag:$0x5], $0x80, v3, vm0, $0xb8;
	[tilespmem:$0x1C280] =	vst v63  }
0x242: {  	v3 =	vld [tilespmem:$0xD0];
	_ =	sdelay $0x4  }
0x243: {  	v61 =	vshll.u32 v3, $0x1  }
0x244: {  	v3 =	vand.u32 $0x7, v3;
	v4 =	vand.u32 $0xFFFFFFF0, v61  }
0x245: {  	v3 =	vor.u32 v3, v4  }
0x246: {  	v4 =	vperm.xlane v3, v0;
	_ =	sdelay $0x1  }
0x247: {  	v3 =	vperm.xlane v3, v2;
	v4 =	vadd.s32 v1, v4;
	_ =	sdelay $0x1  }
0x248: {  	v3 =	vadd.s32 v1, v3;
	_ =	sdelay $0x1  }
0x249: {  	s29 =	simm.s32 $0xD180  }
0x24a: {  	[hbm4b:s3+s5] =	stream.indirect_vreg.scatter [tilespmem:s29], [sflag:$0x5], $0x80, v4, vm0, $0xb8;
	[tilespmem:$0x1C280] =	vst v63  }
0x24b: {  	s30 =	simm.s32 $0xD980  }
0x24c: {  	[hbm4b:s3+s5] =	stream.indirect_vreg.scatter [tilespmem:s30], [sflag:$0x5], $0x80, v3, vm0, $0xb8;
	[tilespmem:$0x1C280] =	vst v63  }
0x24d: {  	v3 =	vld [tilespmem:$0xE0];
	_ =	sdelay $0x4  }
0x24e: {  	v62 =	vshll.u32 v3, $0x1  }
0x24f: {  	v3 =	vand.u32 $0x7, v3;
	v4 =	vand.u32 $0xFFFFFFF0, v62  }
0x250: {  	v3 =	vor.u32 v3, v4  }
0x251: {  	v4 =	vperm.xlane v3, v0;
	_ =	sdelay $0x1  }
0x252: {  	v3 =	vperm.xlane v3, v2;
	v4 =	vadd.s32 v1, v4;
	_ =	sdelay $0x1  }
0x253: {  	v3 =	vadd.s32 v1, v3;
	_ =	sdelay $0x1  }
0x254: {  	s29 =	simm.s32 $0xE180  }
0x255: {  	[hbm4b:s3+s5] =	stream.indirect_vreg.scatter [tilespmem:s29], [sflag:$0x5], $0x80, v4, vm0, $0xb8;
	[tilespmem:$0x1C280] =	vst v63  }
0x256: {  	s30 =	simm.s32 $0xE980  }
0x257: {  	[hbm4b:s3+s5] =	stream.indirect_vreg.scatter [tilespmem:s30], [sflag:$0x5], $0x80, v3, vm0, $0xb8;
	[tilespmem:$0x1C280] =	vst v63  }
0x258: {  	v3 =	vld [tilespmem:$0xF0];
	_ =	sdelay $0x4  }
0x259: {  	v63 =	vshll.u32 v3, $0x1  }
0x25a: {  	v3 =	vand.u32 $0x7, v3;
	v4 =	vand.u32 $0xFFFFFFF0, v63  }
0x25b: {  	v3 =	vor.u32 v3, v4  }
0x25c: {  	v4 =	vperm.xlane v3, v0;
	_ =	sdelay $0x1  }
0x25d: {  	v3 =	vperm.xlane v3, v2;
	v4 =	vadd.s32 v1, v4;
	_ =	sdelay $0x1  }
0x25e: {  	v3 =	vadd.s32 v1, v3  }
.Ltmp12:
0x25f: {  	_ = 	snop;
	(pc) =	sbr.rel .LBB2_14-.Ltmp12, $4  }
0x260: {  	s29 =	simm.s32 $0xF180  }
0x261: {  	[hbm4b:s3+s5] =	stream.indirect_vreg.scatter [tilespmem:s29], [sflag:$0x5], $0x80, v4, vm0, $0xb8;
	[tilespmem:$0x1C280] =	vst v63  }
0x262: {  	s30 =	simm.s32 $0xF980  }
0x263: {  	[hbm4b:s3+s5] =	stream.indirect_vreg.scatter [tilespmem:s30], [sflag:$0x5], $0x80, v3, vm0, $0xb8;
	[tilespmem:$0x1C280] =	vst v63  }
.LBB2_11:
0x264: {  	p2 =	slt.u32 s22, $0x3  }
0x265: {  	p3 =	sgt.u32 s23, $0x30C;
	s25 =	sadd.s32 $0xFFFE7980, s24;
	s29 =	smov.u32 s24  }
0x266: {  	s29 =	smov.u32 @p3 s25;
	s25 =	simm.s32 @!p2 $0x4  }
0x267: {  	_ =	swait.ge @!p2 [sflag:s25], $0x8000;
	s30 =	sadd.s32 $0x18700, s29  }
0x268: {  	[sflag:s25] =	ssyncset.done @!p2 $0x0;
	s30 =	sshrl.u32 s30, $0x3  }
0x269: {  	[sflag:s25] =	ssyncadd.s32 @!p2 $0xFFFF8000;
	s30 =	sadd.s32 s6, s30  }
0x26a: {  	[tilespmem:s5], [sflag:$0x1] =	stream.linear.gather [hbm4b:s30+s5], $0x80, $0x38;
	[tilespmem:$0x1C280] =	vst v63  }
0x26b: {  	s30 =	sshll.u32 s29, $0x5  }
0x26c: {  	s25 =	sadd.s32 s2, s30  }
0x26d: {  	[tilespmem:s26], [sflag:$0x1] =	stream.linear.gather [hbm4b:s25+s5], $0x8000, $0x38;
	[tilespmem:$0x1C280] =	vst v63  }
0x26e: {  	_ =	swait.ge [sflag:s28], $0x80  }
0x26f: {  	[sflag:s28] =	ssyncset.done $0x0  }
0x270: {  	[sflag:s28] =	ssyncadd.s32 $0xFFFFFF80  }
0x271: {  	_ =	swait.ge [sflag:s28], $0x8000  }
0x272: {  	[sflag:s28] =	ssyncset.done $0x0  }
0x273: {  	[sflag:s28] =	ssyncadd.s32 $0xFFFF8000  }
0x274: {  	v3 =	vld [tilespmem:$0x0];
	_ =	sdelay $0x4  }
0x275: {  	v4 =	vshll.u32 v3, $0x1  }
0x276: {  	v3 =	vand.u32 $0x7, v3;
	v4 =	vand.u32 $0xFFFFFFF0, v4  }
0x277: {  	v3 =	vor.u32 v3, v4  }
0x278: {  	v4 =	vperm.xlane v3, v0;
	_ =	sdelay $0x1  }
0x279: {  	v3 =	vperm.xlane v3, v2;
	v4 =	vadd.s32 v1, v4;
	_ =	sdelay $0x1  }
0x27a: {  	v3 =	vadd.s32 v1, v3;
	_ =	sdelay $0x2  }
0x27b: {  	[hbm4b:s3+s5] =	stream.indirect_vreg.scatter [tilespmem:s26], [sflag:$0x4], $0x80, v4, vm0, $0xb8;
	[tilespmem:$0x1C280] =	vst v63  }
0x27c: {  	s29 =	simm.s32 $0x980  }
0x27d: {  	[hbm4b:s3+s5] =	stream.indirect_vreg.scatter [tilespmem:s29], [sflag:$0x4], $0x80, v3, vm0, $0xb8;
	[tilespmem:$0x1C280] =	vst v63  }
0x27e: {  	v3 =	vld [tilespmem:$0x10];
	_ =	sdelay $0x4  }
0x27f: {  	v57 =	vshll.u32 v3, $0x1  }
0x280: {  	v3 =	vand.u32 $0x7, v3;
	v4 =	vand.u32 $0xFFFFFFF0, v57  }
0x281: {  	v3 =	vor.u32 v3, v4  }
0x282: {  	v4 =	vperm.xlane v3, v0;
	_ =	sdelay $0x1  }
0x283: {  	v3 =	vperm.xlane v3, v2;
	v4 =	vadd.s32 v1, v4;
	_ =	sdelay $0x1  }
0x284: {  	v3 =	vadd.s32 v1, v3;
	_ =	sdelay $0x1  }
0x285: {  	s30 =	simm.s32 $0x1180  }
0x286: {  	[hbm4b:s3+s5] =	stream.indirect_vreg.scatter [tilespmem:s30], [sflag:$0x4], $0x80, v4, vm0, $0xb8;
	[tilespmem:$0x1C280] =	vst v63  }
0x287: {  	_ = 	snop  }
0x288: {  	[hbm4b:s3+s5] =	stream.indirect_vreg.scatter [tilespmem:s31], [sflag:$0x4], $0x80, v3, vm0, $0xb8;
	[tilespmem:$0x1C280] =	vst v63  }
0x289: {  	v3 =	vld [tilespmem:$0x20];
	_ =	sdelay $0x4  }
0x28a: {  	v58 =	vshll.u32 v3, $0x1  }
0x28b: {  	v3 =	vand.u32 $0x7, v3;
	v4 =	vand.u32 $0xFFFFFFF0, v58  }
0x28c: {  	v3 =	vor.u32 v3, v4  }
0x28d: {  	v4 =	vperm.xlane v3, v0;
	_ =	sdelay $0x1  }
0x28e: {  	v3 =	vperm.xlane v3, v2;
	v4 =	vadd.s32 v1, v4;
	_ =	sdelay $0x1  }
0x28f: {  	v3 =	vadd.s32 v1, v3;
	_ =	sdelay $0x2  }
0x290: {  	[hbm4b:s3+s5] =	stream.indirect_vreg.scatter [tilespmem:s11], [sflag:$0x4], $0x80, v4, vm0, $0xb8;
	[tilespmem:$0x1C280] =	vst v63  }
0x291: {  	_ = 	snop  }
0x292: {  	[hbm4b:s3+s5] =	stream.indirect_vreg.scatter [tilespmem:s7], [sflag:$0x4], $0x80, v3, vm0, $0xb8;
	[tilespmem:$0x1C280] =	vst v63  }
0x293: {  	v3 =	vld [tilespmem:$0x30];
	_ =	sdelay $0x4  }
0x294: {  	v59 =	vshll.u32 v3, $0x1  }
0x295: {  	v3 =	vand.u32 $0x7, v3;
	v4 =	vand.u32 $0xFFFFFFF0, v59  }
0x296: {  	v3 =	vor.u32 v3, v4  }
0x297: {  	v4 =	vperm.xlane v3, v0;
	_ =	sdelay $0x1  }
0x298: {  	v3 =	vperm.xlane v3, v2;
	v4 =	vadd.s32 v1, v4;
	_ =	sdelay $0x1  }
0x299: {  	v3 =	vadd.s32 v1, v3;
	_ =	sdelay $0x2  }
0x29a: {  	[hbm4b:s3+s5] =	stream.indirect_vreg.scatter [tilespmem:s0], [sflag:$0x4], $0x80, v4, vm0, $0xb8;
	[tilespmem:$0x1C280] =	vst v63  }
0x29b: {  	_ = 	snop  }
0x29c: {  	[hbm4b:s3+s5] =	stream.indirect_vreg.scatter [tilespmem:s4], [sflag:$0x4], $0x80, v3, vm0, $0xb8;
	[tilespmem:$0x1C280] =	vst v63  }
0x29d: {  	v3 =	vld [tilespmem:$0x40];
	_ =	sdelay $0x4  }
0x29e: {  	v60 =	vshll.u32 v3, $0x1  }
0x29f: {  	v3 =	vand.u32 $0x7, v3;
	v4 =	vand.u32 $0xFFFFFFF0, v60  }
0x2a0: {  	v3 =	vor.u32 v3, v4  }
0x2a1: {  	v4 =	vperm.xlane v3, v0;
	_ =	sdelay $0x1  }
0x2a2: {  	v3 =	vperm.xlane v3, v2;
	v4 =	vadd.s32 v1, v4;
	_ =	sdelay $0x1  }
0x2a3: {  	v3 =	vadd.s32 v1, v3;
	_ =	sdelay $0x2  }
0x2a4: {  	[hbm4b:s3+s5] =	stream.indirect_vreg.scatter [tilespmem:s9], [sflag:$0x4], $0x80, v4, vm0, $0xb8;
	[tilespmem:$0x1C280] =	vst v63  }
0x2a5: {  	_ = 	snop  }
0x2a6: {  	[hbm4b:s3+s5] =	stream.indirect_vreg.scatter [tilespmem:s13], [sflag:$0x4], $0x80, v3, vm0, $0xb8;
	[tilespmem:$0x1C280] =	vst v63  }
0x2a7: {  	v3 =	vld [tilespmem:$0x50];
	_ =	sdelay $0x4  }
0x2a8: {  	v61 =	vshll.u32 v3, $0x1  }
0x2a9: {  	v3 =	vand.u32 $0x7, v3;
	v4 =	vand.u32 $0xFFFFFFF0, v61  }
0x2aa: {  	v3 =	vor.u32 v3, v4  }
0x2ab: {  	v4 =	vperm.xlane v3, v0;
	_ =	sdelay $0x1  }
0x2ac: {  	v3 =	vperm.xlane v3, v2;
	v4 =	vadd.s32 v1, v4;
	_ =	sdelay $0x1  }
0x2ad: {  	v3 =	vadd.s32 v1, v3;
	_ =	sdelay $0x2  }
0x2ae: {  	[hbm4b:s3+s5] =	stream.indirect_vreg.scatter [tilespmem:s16], [sflag:$0x4], $0x80, v4, vm0, $0xb8;
	[tilespmem:$0x1C280] =	vst v63  }
0x2af: {  	_ = 	snop  }
0x2b0: {  	[hbm4b:s3+s5] =	stream.indirect_vreg.scatter [tilespmem:s17], [sflag:$0x4], $0x80, v3, vm0, $0xb8;
	[tilespmem:$0x1C280] =	vst v63  }
0x2b1: {  	v3 =	vld [tilespmem:$0x60];
	_ =	sdelay $0x4  }
0x2b2: {  	v62 =	vshll.u32 v3, $0x1  }
0x2b3: {  	v3 =	vand.u32 $0x7, v3;
	v4 =	vand.u32 $0xFFFFFFF0, v62  }
0x2b4: {  	v3 =	vor.u32 v3, v4  }
0x2b5: {  	v4 =	vperm.xlane v3, v0;
	_ =	sdelay $0x1  }
0x2b6: {  	v3 =	vperm.xlane v3, v2;
	v4 =	vadd.s32 v1, v4;
	_ =	sdelay $0x1  }
0x2b7: {  	v3 =	vadd.s32 v1, v3;
	_ =	sdelay $0x2  }
0x2b8: {  	[hbm4b:s3+s5] =	stream.indirect_vreg.scatter [tilespmem:s18], [sflag:$0x4], $0x80, v4, vm0, $0xb8;
	[tilespmem:$0x1C280] =	vst v63  }
0x2b9: {  	_ = 	snop  }
0x2ba: {  	[hbm4b:s3+s5] =	stream.indirect_vreg.scatter [tilespmem:s19], [sflag:$0x4], $0x80, v3, vm0, $0xb8;
	[tilespmem:$0x1C280] =	vst v63  }
0x2bb: {  	v3 =	vld [tilespmem:$0x70];
	_ =	sdelay $0x4  }
0x2bc: {  	v63 =	vshll.u32 v3, $0x1  }
0x2bd: {  	v3 =	vand.u32 $0x7, v3;
	v4 =	vand.u32 $0xFFFFFFF0, v63  }
0x2be: {  	v3 =	vor.u32 v3, v4  }
0x2bf: {  	v4 =	vperm.xlane v3, v0;
	_ =	sdelay $0x1  }
0x2c0: {  	v3 =	vperm.xlane v3, v2;
	v4 =	vadd.s32 v1, v4;
	_ =	sdelay $0x1  }
0x2c1: {  	v3 =	vadd.s32 v1, v3  }
.Ltmp13:
0x2c2: {  	_ = 	snop;
	(pc) =	sbr.rel .LBB2_14-.Ltmp13, $4  }
0x2c3: {  	_ = 	snop  }
0x2c4: {  	[hbm4b:s3+s5] =	stream.indirect_vreg.scatter [tilespmem:s20], [sflag:$0x4], $0x80, v4, vm0, $0xb8;
	[tilespmem:$0x1C280] =	vst v63  }
0x2c5: {  	_ = 	snop  }
0x2c6: {  	[hbm4b:s3+s5] =	stream.indirect_vreg.scatter [tilespmem:s21], [sflag:$0x4], $0x80, v3, vm0, $0xb8;
	[tilespmem:$0x1C280] =	vst v63  }
.LBB2_15:
0x2c7: {  	s22 =	simm.s32 $0x4  }
0x2c8: {  	_ =	swait.ge [sflag:s22], $0x8000  }
0x2c9: {  	[sflag:s22] =	ssyncset.done $0x0  }
0x2ca: {  	s29 =	simm.s32 $0x5;
	[sflag:s22] =	ssyncadd.s32 $0xFFFF8000  }
0x2cb: {  	_ =	swait.ge [sflag:s29], $0x8000  }
.Ltmp14:
0x2cc: {  	[sflag:s29] =	ssyncset.done $0x0;
	(pc) =	sbr.rel @p0 .LBB2_16-.Ltmp14, $4  }
0x2cd: {  	s30 =	simm.s32 $0x6;
	[sflag:s29] =	ssyncadd.s32 $0xFFFF8000  }
0x2ce: {  	_ =	swait.ge [sflag:s30], $0x8000  }
0x2cf: {  	[sflag:s30] =	ssyncset.done $0x0  }
0x2d0: {  	[sflag:s30] =	ssyncadd.s32 $0xFFFF8000  }
.Ltmp15:
0x2d1: {  	(pc) =	sbr.rel @p1 .LBB2_20-.Ltmp15, $2  }
0x2d2: {  	_ =	sdelay $0x2  }
0x2d3: {  	s23 =	rddreg [dreg:$0xa]  }
.Ltmp16:
0x2d4: {  	(pc) =	sbr.rel .LBB2_19-.Ltmp16, $3  }
0x2d5: {  	_ =	sdelay $0x1  }
0x2d6: {  	s22 =	simm.s32 $0x1A280  }
0x2d7: {  	s23 =	simm.s32 $0x1A200;
	s25 =	rddreg [dreg:$0x6];
	s24 =	smov.u32 s2  }
.LBB2_21:
0x2d8: {  	_ =	sfence.sel $0x180000  }
0x2d9: {  	[bflag:$0x0] =	sbarrier.arrive $0xFFFF  }
0x2da: {  	_ =	strace $0x9000004A  }
0x2db: {  	s0 =	stileid.u32;
	[bflag:$0x2] =	sbarrier.arrive $0xFFFF  }
0x2dc: {  	p0 =	sne.s32 s0, $0x0;
	s0 =	rddreg [dreg:$0x4]  }
0x2dd: {  	s0 =	sadd.s32 @!p0 $0x100000, s0  }
0x2de: {  	[sflag:s0] =	ssyncadd.tile.s32 @!p0 $0x1;
	_ =	shalt  }
.Lfunc_end2:
_tile_overlayer_lowered:
.L_overlay_start_2:
0x2df: {  	(tag) =	ssettag $0x2  }
0x2e0: {  	s0 =	rddreg [dreg:$0x0];
	s2 =	stileid.u32  }
0x2e1: {  	s1 =	rddreg [dreg:$0x1];
	p0 =	sne.s32 s2, $0x0  }
0x2e2: {  	s3 =	rddreg [dreg:$0x2];
	[bflag:$0x3] =	sbarrier.arrive $0xFFFF;
	s2 =	simm.s32 @!p0 $0x1C08  }
0x2e3: {  	[timem:s3], [sflag:s2] =	dma.local @!p0 [hbm:s0], s1  }
0x2e4: {  	s0 =	simm.s32 @!p0 $0x8  }
0x2e5: {  	_ =	swait.ge @!p0 [sflag:s0], s1  }
0x2e6: {  	s1 =	ssub.s32 @!p0 $0x0, s1;
	[sflag:s0] =	ssyncset.done @!p0 $0x0  }
0x2e7: {  	[sflag:s0] =	ssyncadd.s32 @!p0 s1  }
0x2e8: {  	[bflag:$0x3] =	sbarrier.arrive $0xFFFF  }
0x2e9: {  	_ =	shalt  }

</sc_bundles>
